<compile_context>
chip_gen: v7x
topology: tpu7x:2x2x1
jax: 0.10.2.dev20260603
libtpu: 0.0.44.dev20260713+nightly
codegen_flags: <defaults>
</compile_context>

<pallas_src>
import functools

import jax
import jax.numpy as jnp
from jax import lax
from jax.experimental import pallas as pl
from jax.experimental.pallas import tpu as pltpu
from jax.experimental.pallas import tpu_sc as plsc

_NUM_CLASSES = 19
_BH = 64
_PB = 4
_NC, _NS, _L = 2, 16, 16
_NW = _NC * _NS
_CROWS = 16


def _argmax_pack_body(x_ref, o_ref):
    x = x_ref[...]
    packed = None
    for bb in range(_PB):
        m = x[bb, 0]
        idx = jnp.zeros(m.shape, dtype=jnp.int32)
        for c in range(1, _NUM_CLASSES):
            v = x[bb, c]
            gt = v > m
            m = jnp.where(gt, v, m)
            idx = jnp.where(gt, c, idx)
        part = idx if bb == 0 else (idx << (8 * bb))
        packed = part if packed is None else (packed | part)
    o_ref[0] = packed


def _tc_argmax_packed(soft_label):
    b, nc, h, wdim = soft_label.shape
    return pl.pallas_call(
        _argmax_pack_body,
        grid=(b // _PB, h // _BH),
        in_specs=[pl.BlockSpec((_PB, nc, _BH, wdim),
                               lambda g, j: (g, 0, j, 0))],
        out_specs=pl.BlockSpec((1, _BH, wdim), lambda g, j: (g, j, 0)),
        out_shape=jax.ShapeDtypeStruct((b // _PB, h, wdim), jnp.int32),
    )(soft_label)


def _make_sc_gather(b, h, wdim):
    ng = b // _PB
    rows_per_w = (ng * h) // _NW
    n_chunks = rows_per_w // _CROWS
    vecs = (_CROWS * wdim) // _L
    cols = wdim // _L
    mesh = plsc.VectorSubcoreMesh(
        core_axis_name="c", subcore_axis_name="s",
        num_cores=_NC, num_subcores=_NS)

    @functools.partial(
        pl.kernel,
        mesh=mesh,
        compiler_params=pltpu.CompilerParams(
            needs_layout_passes=False, use_tc_tiling_on_sc=True),
        out_type=jax.ShapeDtypeStruct((b, h, wdim), jnp.float32),
        scratch_types=[
            pltpu.VMEM((_NUM_CLASSES,), jnp.float32),
            pltpu.VMEM((2, _CROWS, wdim), jnp.int32),
            pltpu.VMEM((2, _PB, _CROWS, wdim), jnp.float32),
            pltpu.SemaphoreType.DMA((2,)),
            pltpu.SemaphoreType.DMA((2,)),
        ],
    )
    def _sc_gather(tbl_hbm, pk_hbm, out_hbm, tbl_v, pk_v, out_v,
                   in_sems, out_sems):
        wid = lax.axis_index("s") * _NC + lax.axis_index("c")
        row_w = wid * rows_per_w

        def slices(ci):
            row = row_w + ci * _CROWS
            return row // h, row % h

        pltpu.sync_copy(tbl_hbm, tbl_v)

        in_flight = []
        g0, rr0 = slices(0)
        in_flight.append(pltpu.async_copy(
            pk_hbm.at[g0, pl.ds(rr0, _CROWS)], pk_v.at[0], in_sems.at[0]))

        out_flight = [[], []]
        for ci in range(n_chunks):
            buf = ci % 2
            if ci + 1 < n_chunks:
                g1, rr1 = slices(ci + 1)
                in_flight.append(pltpu.async_copy(
                    pk_hbm.at[g1, pl.ds(rr1, _CROWS)],
                    pk_v.at[1 - buf], in_sems.at[1 - buf]))
            in_flight.pop(0).wait()
            for f in out_flight[buf]:
                f.wait()
            out_flight[buf] = []

            ib = pk_v.at[buf]
            ob = out_v.at[buf]

            @plsc.parallel_loop(0, vecs, unroll=8)
            def vec_body(i):
                r = i // cols
                c = (i % cols) * _L
                w = ib[r, pl.ds(c, _L)]
                for bb in range(_PB):
                    iv = (w >> (8 * bb)) & 0xFF
                    ob[bb, r, pl.ds(c, _L)] = plsc.load_gather(tbl_v, [iv])

            g, rr = slices(ci)
            for bb in range(_PB):
                out_flight[buf].append(pltpu.async_copy(
                    out_v.at[buf, bb],
                    out_hbm.at[_PB * g + bb, pl.ds(rr, _CROWS)],
                    out_sems.at[buf]))

        for fl in out_flight:
            for f in fl:
                f.wait()

    return _sc_gather


@jax.jit
def kernel(soft_label, pixel_weights):
    b, nc, h, wdim = soft_label.shape
    pk = _tc_argmax_packed(soft_label)
    return _make_sc_gather(b, h, wdim)(pixel_weights, pk)

# --- scband reference (transcript-rebuilt; emitter-appended) ---
"""Pipeline reference for scband-scaled-weighter-86303072846055 (READ-ONLY COPY).

The authoritative reference and input builder live on the scoring server;
editing this copy changes nothing except your own understanding.
"""

import jax, jax.numpy as jnp
import numpy as np

CLINICAL_CLASS_INDICES = [1, 3, 5, 7]
CLASS_WEIGHTS = [0.5, 4.0, 1.0, 3.5, 0.8, 5.0, 2.0, 6.0, 1.2, 0.9, 1.5, 2.5, 3.0, 0.7, 1.1, 2.2, 4.5, 1.8, 0.6]
PRIORITY_SCALE_FACTOR = 2.5


def setup_inputs(seed: int = 0) -> dict:
    key = jax.random.key(seed)
    k1 = jax.random.fold_in(key, 1)
    soft_label = jax.random.normal(k1, (8, 19, 512, 512), dtype=jnp.float32)
    weights = jnp.asarray(CLASS_WEIGHTS, dtype=jnp.float32)
    clin_idx = jnp.asarray(CLINICAL_CLASS_INDICES, dtype=jnp.int32)
    # replicate __init__: scale clinical class indices by priority_scale_factor
    weights = weights.at[clin_idx].multiply(PRIORITY_SCALE_FACTOR)
    return {"soft_label": soft_label, "pixel_weights": weights}


def reference(soft_label, pixel_weights):
    # batch_data['soft_label'] -> argmax over class dim -> per-pixel weight gather
    target_hard = jnp.argmax(soft_label, axis=1)  # int [B, H, W]
    return jnp.take(pixel_weights, target_hard, axis=0)  # float32 [B, H, W]

if __name__ == "__main__":
    import jax
    _d = setup_inputs()
    print(jax.jit(kernel)(*tuple(_d.values())))

</pallas_src>

<mosaic_0001>
#map = affine_map<(d0, d1) -> (0)>
#map1 = affine_map<(d0, d1) -> (0, 0, 0)>
module attributes {stable_mosaic.version = 14 : i64} {
  func.func @_sc_gather(%arg0: i32, %arg1: i32, %arg2: memref<19xf32, #tpu.memory_space<hbm>>, %arg3: memref<2x512x512xi32, #tpu.memory_space<hbm>>, %arg4: memref<8x512x512xf32, #tpu.memory_space<hbm>>, %arg5: memref<19xf32, #tpu.memory_space<vmem>>, %arg6: memref<2x16x512xi32, #tpu.memory_space<vmem>>, %arg7: memref<2x4x16x512xf32, #tpu.memory_space<vmem>>, %arg8: memref<2x!tpu.dma_semaphore, #tpu.memory_space<semaphore_mem>>, %arg9: memref<2x!tpu.dma_semaphore, #tpu.memory_space<semaphore_mem>>) attributes {dimension_semantics = [#tpu.dimension_semantics<core_parallel>, #tpu.dimension_semantics<subcore_parallel>], iteration_bounds = array<i64: 2, 16>, scalar_prefetch = 0 : i64, scratch_operands = 5 : i64, tpu.core_type = #tpu.core_type<sc_vector_subcore>, window_params = [{transform_indices = #map}, {transform_indices = #map1}, {transform_indices = #map1}]} {
    %mul3A = arith.constant 2 : i32
    %mul3A_0 = arith.muli %arg1, %mul3A : i32
    %add3A = arith.addi %mul3A_0, %arg0 : i32
    %mul3A_1 = arith.constant 32 : i32
    %mul3A_2 = arith.muli %add3A, %mul3A_1 : i32
    "tpu.region"() ({
      %run_scoped3A = tpu.sem_alloc : memref<!tpu.dma_semaphore, #tpu.memory_space<semaphore_mem>>
      tpu.enqueue_dma source(%arg2 : memref<19xf32, #tpu.memory_space<hbm>>) target(%arg5 : memref<19xf32, #tpu.memory_space<vmem>>) target_semaphore(%run_scoped3A : memref<!tpu.dma_semaphore, #tpu.memory_space<semaphore_mem>>)
      tpu.wait_dma2 semaphore(%run_scoped3A : memref<!tpu.dma_semaphore, #tpu.memory_space<semaphore_mem>>) src(%arg2 : memref<19xf32, #tpu.memory_space<hbm>>) dst(%arg5 : memref<19xf32, #tpu.memory_space<vmem>>)
      tpu.yield
    }) : () -> ()
    %add3A_3 = arith.constant 0 : i32
    %add3A_4 = arith.addi %mul3A_2, %add3A_3 : i32
    %jit3A = arith.constant 512 : i32
    %div3A = arith.divsi %add3A_4, %jit3A : i32
    %sign3A = arith.constant 0 : i32
    %sign3A_5 = arith.cmpi sgt, %add3A_4, %sign3A : i32
    %sign3A_6 = arith.extui %sign3A_5 : i1 to i32
    %sign3A_7 = arith.constant 0 : i32
    %sign3A_8 = arith.cmpi slt, %add3A_4, %sign3A_7 : i32
    %sign3A_9 = arith.extui %sign3A_8 : i1 to i32
    %sign3A_10 = arith.subi %sign3A_6, %sign3A_9 : i32
    %sign3A_11 = arith.constant 0 : i32
    %sign3A_12 = arith.cmpi sgt, %jit3A, %sign3A_11 : i32
    %sign3A_13 = arith.extui %sign3A_12 : i1 to i32
    %sign3A_14 = arith.constant 0 : i32
    %sign3A_15 = arith.cmpi slt, %jit3A, %sign3A_14 : i32
    %sign3A_16 = arith.extui %sign3A_15 : i1 to i32
    %sign3A_17 = arith.subi %sign3A_13, %sign3A_16 : i32
    %ne3A = arith.cmpi ne, %sign3A_10, %sign3A_17 : i32
    %rem3A = arith.remsi %add3A_4, %jit3A : i32
    %ne3A_18 = arith.constant 0 : i32
    %ne3A_19 = arith.cmpi ne, %rem3A, %ne3A_18 : i32
    %and3A = arith.andi %ne3A, %ne3A_19 : i1
    %sub3A = arith.constant 1 : i32
    %sub3A_20 = arith.subi %div3A, %sub3A : i32
    %select_n3A = arith.select %and3A, %sub3A_20, %div3A : i32
    %jit3A_21 = arith.constant 512 : i32
    %eq3A = arith.constant 0 : i32
    %eq3A_22 = arith.cmpi eq, %jit3A_21, %eq3A : i32
    %jit3A_23 = arith.constant 1 : i32
    %select_n3A_24 = arith.select %eq3A_22, %jit3A_23, %jit3A_21 : i32
    %rem3A_25 = arith.remsi %add3A_4, %select_n3A_24 : i32
    %ne3A_26 = arith.constant 0 : i32
    %ne3A_27 = arith.cmpi ne, %rem3A_25, %ne3A_26 : i32
    %lt3A = arith.constant 0 : i32
    %lt3A_28 = arith.cmpi slt, %rem3A_25, %lt3A : i32
    %lt3A_29 = arith.constant 0 : i32
    %lt3A_30 = arith.cmpi slt, %select_n3A_24, %lt3A_29 : i32
    %ne3A_31 = arith.xori %lt3A_28, %lt3A_30 : i1
    %and3A_32 = arith.andi %ne3A_31, %ne3A_27 : i1
    %add3A_33 = arith.addi %rem3A_25, %select_n3A_24 : i32
    %select_n3A_34 = arith.select %and3A_32, %add3A_33, %rem3A_25 : i32
    %dma_start3A = arith.constant 0 : i32
    %dma_start3A_35 = arith.constant 0 : i32
    %dma_start3A_36 = arith.constant 0 : i32
    %dma_start3A_37 = arith.constant 0 : i32
    %dma_start3A_38 = tpu.memref_slice %arg6[%dma_start3A, %dma_start3A_36, %dma_start3A_37] : memref<2x16x512xi32, #tpu.memory_space<vmem>> -> memref<1x16x512xi32, #tpu.memory_space<vmem>>
    %dma_start3A_39 = tpu.memref_squeeze %dma_start3A_38 : memref<1x16x512xi32, #tpu.memory_space<vmem>> -> memref<16x512xi32, #tpu.memory_space<vmem>>
    %dma_start3A_40 = arith.constant 0 : i32
    %dma_start3A_41 = tpu.memref_slice %arg3[%select_n3A, %select_n3A_34, %dma_start3A_40] : memref<2x512x512xi32, #tpu.memory_space<hbm>> -> memref<1x16x512xi32, #tpu.memory_space<hbm>>
    %dma_start3A_42 = tpu.memref_squeeze %dma_start3A_41 : memref<1x16x512xi32, #tpu.memory_space<hbm>> -> memref<16x512xi32, #tpu.memory_space<hbm>>
    %dma_start3A_43 = tpu.memref_slice %arg8[%dma_start3A_35] : memref<2x!tpu.dma_semaphore, #tpu.memory_space<semaphore_mem>> -> memref<1x!tpu.dma_semaphore, #tpu.memory_space<semaphore_mem>>
    %dma_start3A_44 = tpu.memref_squeeze %dma_start3A_43 : memref<1x!tpu.dma_semaphore, #tpu.memory_space<semaphore_mem>> -> memref<!tpu.dma_semaphore, #tpu.memory_space<semaphore_mem>>
    %dma_start3A_45 = arith.constant 0 : i32
    %dma_start3A_46 = arith.constant 0 : i32
    %dma_start3A_47 = tpu.memref_slice %arg6[%dma_start3A, %dma_start3A_45, %dma_start3A_46] : memref<2x16x512xi32, #tpu.memory_space<vmem>> -> memref<1x16x512xi32, #tpu.memory_space<vmem>>
    %dma_start3A_48 = tpu.memref_squeeze %dma_start3A_47 : memref<1x16x512xi32, #tpu.memory_space<vmem>> -> memref<16x512xi32, #tpu.memory_space<vmem>>
    %dma_start3A_49 = arith.constant 0 : i32
    %dma_start3A_50 = tpu.memref_slice %arg3[%select_n3A, %select_n3A_34, %dma_start3A_49] : memref<2x512x512xi32, #tpu.memory_space<hbm>> -> memref<1x16x512xi32, #tpu.memory_space<hbm>>
    %dma_start3A_51 = tpu.memref_squeeze %dma_start3A_50 : memref<1x16x512xi32, #tpu.memory_space<hbm>> -> memref<16x512xi32, #tpu.memory_space<hbm>>
    tpu.enqueue_dma source(%dma_start3A_51 : memref<16x512xi32, #tpu.memory_space<hbm>>) target(%dma_start3A_48 : memref<16x512xi32, #tpu.memory_space<vmem>>) target_semaphore(%dma_start3A_44 : memref<!tpu.dma_semaphore, #tpu.memory_space<semaphore_mem>>)
    %add3A_52 = arith.constant 16 : i32
    %add3A_53 = arith.addi %mul3A_2, %add3A_52 : i32
    %jit3A_54 = arith.constant 512 : i32
    %div3A_55 = arith.divsi %add3A_53, %jit3A_54 : i32
    %sign3A_56 = arith.constant 0 : i32
    %sign3A_57 = arith.cmpi sgt, %add3A_53, %sign3A_56 : i32
    %sign3A_58 = arith.extui %sign3A_57 : i1 to i32
    %sign3A_59 = arith.constant 0 : i32
    %sign3A_60 = arith.cmpi slt, %add3A_53, %sign3A_59 : i32
    %sign3A_61 = arith.extui %sign3A_60 : i1 to i32
    %sign3A_62 = arith.subi %sign3A_58, %sign3A_61 : i32
    %sign3A_63 = arith.constant 0 : i32
    %sign3A_64 = arith.cmpi sgt, %jit3A_54, %sign3A_63 : i32
    %sign3A_65 = arith.extui %sign3A_64 : i1 to i32
    %sign3A_66 = arith.constant 0 : i32
    %sign3A_67 = arith.cmpi slt, %jit3A_54, %sign3A_66 : i32
    %sign3A_68 = arith.extui %sign3A_67 : i1 to i32
    %sign3A_69 = arith.subi %sign3A_65, %sign3A_68 : i32
    %ne3A_70 = arith.cmpi ne, %sign3A_62, %sign3A_69 : i32
    %rem3A_71 = arith.remsi %add3A_53, %jit3A_54 : i32
    %ne3A_72 = arith.constant 0 : i32
    %ne3A_73 = arith.cmpi ne, %rem3A_71, %ne3A_72 : i32
    %and3A_74 = arith.andi %ne3A_70, %ne3A_73 : i1
    %sub3A_75 = arith.constant 1 : i32
    %sub3A_76 = arith.subi %div3A_55, %sub3A_75 : i32
    %select_n3A_77 = arith.select %and3A_74, %sub3A_76, %div3A_55 : i32
    %jit3A_78 = arith.constant 512 : i32
    %eq3A_79 = arith.constant 0 : i32
    %eq3A_80 = arith.cmpi eq, %jit3A_78, %eq3A_79 : i32
    %jit3A_81 = arith.constant 1 : i32
    %select_n3A_82 = arith.select %eq3A_80, %jit3A_81, %jit3A_78 : i32
    %rem3A_83 = arith.remsi %add3A_53, %select_n3A_82 : i32
    %ne3A_84 = arith.constant 0 : i32
    %ne3A_85 = arith.cmpi ne, %rem3A_83, %ne3A_84 : i32
    %lt3A_86 = arith.constant 0 : i32
    %lt3A_87 = arith.cmpi slt, %rem3A_83, %lt3A_86 : i32
    %lt3A_88 = arith.constant 0 : i32
    %lt3A_89 = arith.cmpi slt, %select_n3A_82, %lt3A_88 : i32
    %ne3A_90 = arith.xori %lt3A_87, %lt3A_89 : i1
    %and3A_91 = arith.andi %ne3A_90, %ne3A_85 : i1
    %add3A_92 = arith.addi %rem3A_83, %select_n3A_82 : i32
    %select_n3A_93 = arith.select %and3A_91, %add3A_92, %rem3A_83 : i32
    %dma_start3A_94 = arith.constant 1 : i32
    %dma_start3A_95 = arith.constant 1 : i32
    %dma_start3A_96 = arith.constant 0 : i32
    %dma_start3A_97 = arith.constant 0 : i32
    %dma_start3A_98 = tpu.memref_slice %arg6[%dma_start3A_94, %dma_start3A_96, %dma_start3A_97] : memref<2x16x512xi32, #tpu.memory_space<vmem>> -> memref<1x16x512xi32, #tpu.memory_space<vmem>>
    %dma_start3A_99 = tpu.memref_squeeze %dma_start3A_98 : memref<1x16x512xi32, #tpu.memory_space<vmem>> -> memref<16x512xi32, #tpu.memory_space<vmem>>
    %dma_start3A_100 = arith.constant 0 : i32
    %dma_start3A_101 = tpu.memref_slice %arg3[%select_n3A_77, %select_n3A_93, %dma_start3A_100] : memref<2x512x512xi32, #tpu.memory_space<hbm>> -> memref<1x16x512xi32, #tpu.memory_space<hbm>>
    %dma_start3A_102 = tpu.memref_squeeze %dma_start3A_101 : memref<1x16x512xi32, #tpu.memory_space<hbm>> -> memref<16x512xi32, #tpu.memory_space<hbm>>
    %dma_start3A_103 = tpu.memref_slice %arg8[%dma_start3A_95] : memref<2x!tpu.dma_semaphore, #tpu.memory_space<semaphore_mem>> -> memref<1x!tpu.dma_semaphore, #tpu.memory_space<semaphore_mem>>
    %dma_start3A_104 = tpu.memref_squeeze %dma_start3A_103 : memref<1x!tpu.dma_semaphore, #tpu.memory_space<semaphore_mem>> -> memref<!tpu.dma_semaphore, #tpu.memory_space<semaphore_mem>>
    %dma_start3A_105 = arith.constant 0 : i32
    %dma_start3A_106 = arith.constant 0 : i32
    %dma_start3A_107 = tpu.memref_slice %arg6[%dma_start3A_94, %dma_start3A_105, %dma_start3A_106] : memref<2x16x512xi32, #tpu.memory_space<vmem>> -> memref<1x16x512xi32, #tpu.memory_space<vmem>>
    %dma_start3A_108 = tpu.memref_squeeze %dma_start3A_107 : memref<1x16x512xi32, #tpu.memory_space<vmem>> -> memref<16x512xi32, #tpu.memory_space<vmem>>
    %dma_start3A_109 = arith.constant 0 : i32
    %dma_start3A_110 = tpu.memref_slice %arg3[%select_n3A_77, %select_n3A_93, %dma_start3A_109] : memref<2x512x512xi32, #tpu.memory_space<hbm>> -> memref<1x16x512xi32, #tpu.memory_space<hbm>>
    %dma_start3A_111 = tpu.memref_squeeze %dma_start3A_110 : memref<1x16x512xi32, #tpu.memory_space<hbm>> -> memref<16x512xi32, #tpu.memory_space<hbm>>
    tpu.enqueue_dma source(%dma_start3A_111 : memref<16x512xi32, #tpu.memory_space<hbm>>) target(%dma_start3A_108 : memref<16x512xi32, #tpu.memory_space<vmem>>) target_semaphore(%dma_start3A_104 : memref<!tpu.dma_semaphore, #tpu.memory_space<semaphore_mem>>)
    %dma_wait3A = arith.constant 0 : i32
    %dma_wait3A_112 = arith.constant 0 : i32
    %dma_wait3A_113 = arith.constant 0 : i32
    %dma_wait3A_114 = arith.constant 0 : i32
    %dma_wait3A_115 = tpu.memref_slice %arg6[%dma_wait3A, %dma_wait3A_113, %dma_wait3A_114] : memref<2x16x512xi32, #tpu.memory_space<vmem>> -> memref<1x16x512xi32, #tpu.memory_space<vmem>>
    %dma_wait3A_116 = tpu.memref_squeeze %dma_wait3A_115 : memref<1x16x512xi32, #tpu.memory_space<vmem>> -> memref<16x512xi32, #tpu.memory_space<vmem>>
    %dma_wait3A_117 = arith.constant 0 : i32
    %dma_wait3A_118 = tpu.memref_slice %arg3[%select_n3A, %select_n3A_34, %dma_wait3A_117] : memref<2x512x512xi32, #tpu.memory_space<hbm>> -> memref<1x16x512xi32, #tpu.memory_space<hbm>>
    %dma_wait3A_119 = tpu.memref_squeeze %dma_wait3A_118 : memref<1x16x512xi32, #tpu.memory_space<hbm>> -> memref<16x512xi32, #tpu.memory_space<hbm>>
    %dma_wait3A_120 = tpu.memref_slice %arg8[%dma_wait3A_112] : memref<2x!tpu.dma_semaphore, #tpu.memory_space<semaphore_mem>> -> memref<1x!tpu.dma_semaphore, #tpu.memory_space<semaphore_mem>>
    %dma_wait3A_121 = tpu.memref_squeeze %dma_wait3A_120 : memref<1x!tpu.dma_semaphore, #tpu.memory_space<semaphore_mem>> -> memref<!tpu.dma_semaphore, #tpu.memory_space<semaphore_mem>>
    %dma_wait3A_122 = arith.constant 0 : i32
    %dma_wait3A_123 = arith.constant 0 : i32
    %dma_wait3A_124 = tpu.memref_slice %arg6[%dma_wait3A, %dma_wait3A_122, %dma_wait3A_123] : memref<2x16x512xi32, #tpu.memory_space<vmem>> -> memref<1x16x512xi32, #tpu.memory_space<vmem>>
    %dma_wait3A_125 = tpu.memref_squeeze %dma_wait3A_124 : memref<1x16x512xi32, #tpu.memory_space<vmem>> -> memref<16x512xi32, #tpu.memory_space<vmem>>
    %dma_wait3A_126 = arith.constant 0 : i32
    %dma_wait3A_127 = tpu.memref_slice %arg3[%select_n3A, %select_n3A_34, %dma_wait3A_126] : memref<2x512x512xi32, #tpu.memory_space<hbm>> -> memref<1x16x512xi32, #tpu.memory_space<hbm>>
    %dma_wait3A_128 = tpu.memref_squeeze %dma_wait3A_127 : memref<1x16x512xi32, #tpu.memory_space<hbm>> -> memref<16x512xi32, #tpu.memory_space<hbm>>
    tpu.wait_dma2 semaphore(%dma_wait3A_121 : memref<!tpu.dma_semaphore, #tpu.memory_space<semaphore_mem>>) src(%dma_wait3A_128 : memref<16x512xi32, #tpu.memory_space<hbm>>) dst(%dma_wait3A_125 : memref<16x512xi32, #tpu.memory_space<vmem>>)
    %parallel_loop3A = arith.constant 0 : i32
    %parallel_loop3A_129 = arith.constant 512 : i32
    %parallel_loop3A_130 = arith.constant 1 : i32
    %parallel_loop3A_131 = arith.constant 0 : i32
    %parallel_loop3A_132 = arith.constant 0 : i32
    scf.for %parallel_loop3A_576 = %parallel_loop3A to %parallel_loop3A_129 step %parallel_loop3A_130  : i32 {
      %parallel_loop3A_577 = arith.constant 32 : i32
      %parallel_loop3A_578 = arith.divsi %parallel_loop3A_576, %parallel_loop3A_577 : i32
      %parallel_loop3A_579 = arith.constant 0 : i32
      %parallel_loop3A_580 = arith.cmpi sgt, %parallel_loop3A_576, %parallel_loop3A_579 : i32
      %parallel_loop3A_581 = arith.extui %parallel_loop3A_580 : i1 to i32
      %parallel_loop3A_582 = arith.constant 0 : i32
      %parallel_loop3A_583 = arith.cmpi slt, %parallel_loop3A_576, %parallel_loop3A_582 : i32
      %parallel_loop3A_584 = arith.extui %parallel_loop3A_583 : i1 to i32
      %parallel_loop3A_585 = arith.subi %parallel_loop3A_581, %parallel_loop3A_584 : i32
      %parallel_loop3A_586 = arith.constant 0 : i32
      %parallel_loop3A_587 = arith.cmpi sgt, %parallel_loop3A_577, %parallel_loop3A_586 : i32
      %parallel_loop3A_588 = arith.extui %parallel_loop3A_587 : i1 to i32
      %parallel_loop3A_589 = arith.constant 0 : i32
      %parallel_loop3A_590 = arith.cmpi slt, %parallel_loop3A_577, %parallel_loop3A_589 : i32
      %parallel_loop3A_591 = arith.extui %parallel_loop3A_590 : i1 to i32
      %parallel_loop3A_592 = arith.subi %parallel_loop3A_588, %parallel_loop3A_591 : i32
      %parallel_loop3A_593 = arith.cmpi ne, %parallel_loop3A_585, %parallel_loop3A_592 : i32
      %parallel_loop3A_594 = arith.remsi %parallel_loop3A_576, %parallel_loop3A_577 : i32
      %parallel_loop3A_595 = arith.constant 0 : i32
      %parallel_loop3A_596 = arith.cmpi ne, %parallel_loop3A_594, %parallel_loop3A_595 : i32
      %parallel_loop3A_597 = arith.andi %parallel_loop3A_593, %parallel_loop3A_596 : i1
      %parallel_loop3A_598 = arith.constant 1 : i32
      %parallel_loop3A_599 = arith.subi %parallel_loop3A_578, %parallel_loop3A_598 : i32
      %parallel_loop3A_600 = arith.select %parallel_loop3A_597, %parallel_loop3A_599, %parallel_loop3A_578 : i32
      %parallel_loop3A_601 = arith.constant 32 : i32
      %parallel_loop3A_602 = arith.constant 0 : i32
      %parallel_loop3A_603 = arith.cmpi eq, %parallel_loop3A_601, %parallel_loop3A_602 : i32
      %parallel_loop3A_604 = arith.constant 1 : i32
      %parallel_loop3A_605 = arith.select %parallel_loop3A_603, %parallel_loop3A_604, %parallel_loop3A_601 : i32
      %parallel_loop3A_606 = arith.remsi %parallel_loop3A_576, %parallel_loop3A_605 : i32
      %parallel_loop3A_607 = arith.constant 0 : i32
      %parallel_loop3A_608 = arith.cmpi ne, %parallel_loop3A_606, %parallel_loop3A_607 : i32
      %parallel_loop3A_609 = arith.constant 0 : i32
      %parallel_loop3A_610 = arith.cmpi slt, %parallel_loop3A_606, %parallel_loop3A_609 : i32
      %parallel_loop3A_611 = arith.constant 0 : i32
      %parallel_loop3A_612 = arith.cmpi slt, %parallel_loop3A_605, %parallel_loop3A_611 : i32
      %parallel_loop3A_613 = arith.xori %parallel_loop3A_610, %parallel_loop3A_612 : i1
      %parallel_loop3A_614 = arith.andi %parallel_loop3A_613, %parallel_loop3A_608 : i1
      %parallel_loop3A_615 = arith.addi %parallel_loop3A_606, %parallel_loop3A_605 : i32
      %parallel_loop3A_616 = arith.select %parallel_loop3A_614, %parallel_loop3A_615, %parallel_loop3A_606 : i32
      %parallel_loop3A_617 = arith.constant 16 : i32
      %parallel_loop3A_618 = arith.muli %parallel_loop3A_616, %parallel_loop3A_617 : i32
      %parallel_loop3A_619 = arith.constant 0 : i32
      %parallel_loop3A_620 = arith.constant 0 : i32
      %parallel_loop3A_621 = tpu.memref_slice %arg6[%parallel_loop3A_131, %parallel_loop3A_619, %parallel_loop3A_620] : memref<2x16x512xi32, #tpu.memory_space<vmem>> -> memref<1x16x512xi32, #tpu.memory_space<vmem>>
      %parallel_loop3A_622 = tpu.memref_squeeze %parallel_loop3A_621 : memref<1x16x512xi32, #tpu.memory_space<vmem>> -> memref<16x512xi32, #tpu.memory_space<vmem>>
      %parallel_loop3A_623 = arith.index_cast %parallel_loop3A_600 : i32 to index
      %parallel_loop3A_624 = arith.index_cast %parallel_loop3A_618 : i32 to index
      %parallel_loop3A_625 = tpu.vector_load %parallel_loop3A_622[%parallel_loop3A_623, %parallel_loop3A_624] {strides = array<i32>} : memref<16x512xi32, #tpu.memory_space<vmem>>, vector<16xi32>,
      %parallel_loop3A_626 = arith.constant 0 : i32
      %parallel_loop3A_627 = vector.broadcast %parallel_loop3A_626 : i32 to vector<16xi32>
      %parallel_loop3A_628 = arith.shrsi %parallel_loop3A_625, %parallel_loop3A_627 : vector<16xi32>
      %parallel_loop3A_629 = arith.constant 255 : i32
      %parallel_loop3A_630 = vector.broadcast %parallel_loop3A_629 : i32 to vector<16xi32>
      %parallel_loop3A_631 = arith.andi %parallel_loop3A_628, %parallel_loop3A_630 : vector<16xi32>
      %parallel_loop3A_632 = tpu.vector_load_idx %arg5[%parallel_loop3A_631] : memref<19xf32, #tpu.memory_space<vmem>>[vector<16xi32>], vector<16xf32>,
      %parallel_loop3A_633 = arith.constant 0 : i32
      %parallel_loop3A_634 = arith.constant 0 : i32
      %parallel_loop3A_635 = arith.constant 0 : i32
      %parallel_loop3A_636 = arith.constant 0 : i32
      %parallel_loop3A_637 = tpu.memref_slice %arg7[%parallel_loop3A_132, %parallel_loop3A_634, %parallel_loop3A_635, %parallel_loop3A_636] : memref<2x4x16x512xf32, #tpu.memory_space<vmem>> -> memref<1x4x16x512xf32, #tpu.memory_space<vmem>>
      %parallel_loop3A_638 = tpu.memref_squeeze %parallel_loop3A_637 : memref<1x4x16x512xf32, #tpu.memory_space<vmem>> -> memref<4x16x512xf32, #tpu.memory_space<vmem>>
      %parallel_loop3A_639 = arith.index_cast %parallel_loop3A_633 : i32 to index
      %parallel_loop3A_640 = arith.index_cast %parallel_loop3A_600 : i32 to index
      %parallel_loop3A_641 = arith.index_cast %parallel_loop3A_618 : i32 to index
      %parallel_loop3A_642 = tpu.vector_load %parallel_loop3A_638[%parallel_loop3A_639, %parallel_loop3A_640, %parallel_loop3A_641] {strides = array<i32>} : memref<4x16x512xf32, #tpu.memory_space<vmem>>, vector<16xf32>,
      tpu.vector_store %parallel_loop3A_638[%parallel_loop3A_639, %parallel_loop3A_640, %parallel_loop3A_641], %parallel_loop3A_632 {strides = array<i32>} : memref<4x16x512xf32, #tpu.memory_space<vmem>>, vector<16xf32>,
      %parallel_loop3A_643 = arith.constant 8 : i32
      %parallel_loop3A_644 = vector.broadcast %parallel_loop3A_643 : i32 to vector<16xi32>
      %parallel_loop3A_645 = arith.shrsi %parallel_loop3A_625, %parallel_loop3A_644 : vector<16xi32>
      %parallel_loop3A_646 = arith.constant 255 : i32
      %parallel_loop3A_647 = vector.broadcast %parallel_loop3A_646 : i32 to vector<16xi32>
      %parallel_loop3A_648 = arith.andi %parallel_loop3A_645, %parallel_loop3A_647 : vector<16xi32>
      %parallel_loop3A_649 = tpu.vector_load_idx %arg5[%parallel_loop3A_648] : memref<19xf32, #tpu.memory_space<vmem>>[vector<16xi32>], vector<16xf32>,
      %parallel_loop3A_650 = arith.constant 1 : i32
      %parallel_loop3A_651 = arith.constant 0 : i32
      %parallel_loop3A_652 = arith.constant 0 : i32
      %parallel_loop3A_653 = arith.constant 0 : i32
      %parallel_loop3A_654 = tpu.memref_slice %arg7[%parallel_loop3A_132, %parallel_loop3A_651, %parallel_loop3A_652, %parallel_loop3A_653] : memref<2x4x16x512xf32, #tpu.memory_space<vmem>> -> memref<1x4x16x512xf32, #tpu.memory_space<vmem>>
      %parallel_loop3A_655 = tpu.memref_squeeze %parallel_loop3A_654 : memref<1x4x16x512xf32, #tpu.memory_space<vmem>> -> memref<4x16x512xf32, #tpu.memory_space<vmem>>
      %parallel_loop3A_656 = arith.index_cast %parallel_loop3A_650 : i32 to index
      %parallel_loop3A_657 = arith.index_cast %parallel_loop3A_600 : i32 to index
      %parallel_loop3A_658 = arith.index_cast %parallel_loop3A_618 : i32 to index
      %parallel_loop3A_659 = tpu.vector_load %parallel_loop3A_655[%parallel_loop3A_656, %parallel_loop3A_657, %parallel_loop3A_658] {strides = array<i32>} : memref<4x16x512xf32, #tpu.memory_space<vmem>>, vector<16xf32>,
      tpu.vector_store %parallel_loop3A_655[%parallel_loop3A_656, %parallel_loop3A_657, %parallel_loop3A_658], %parallel_loop3A_649 {strides = array<i32>} : memref<4x16x512xf32, #tpu.memory_space<vmem>>, vector<16xf32>,
      %parallel_loop3A_660 = arith.constant 16 : i32
      %parallel_loop3A_661 = vector.broadcast %parallel_loop3A_660 : i32 to vector<16xi32>
      %parallel_loop3A_662 = arith.shrsi %parallel_loop3A_625, %parallel_loop3A_661 : vector<16xi32>
      %parallel_loop3A_663 = arith.constant 255 : i32
      %parallel_loop3A_664 = vector.broadcast %parallel_loop3A_663 : i32 to vector<16xi32>
      %parallel_loop3A_665 = arith.andi %parallel_loop3A_662, %parallel_loop3A_664 : vector<16xi32>
      %parallel_loop3A_666 = tpu.vector_load_idx %arg5[%parallel_loop3A_665] : memref<19xf32, #tpu.memory_space<vmem>>[vector<16xi32>], vector<16xf32>,
      %parallel_loop3A_667 = arith.constant 2 : i32
      %parallel_loop3A_668 = arith.constant 0 : i32
      %parallel_loop3A_669 = arith.constant 0 : i32
      %parallel_loop3A_670 = arith.constant 0 : i32
      %parallel_loop3A_671 = tpu.memref_slice %arg7[%parallel_loop3A_132, %parallel_loop3A_668, %parallel_loop3A_669, %parallel_loop3A_670] : memref<2x4x16x512xf32, #tpu.memory_space<vmem>> -> memref<1x4x16x512xf32, #tpu.memory_space<vmem>>
      %parallel_loop3A_672 = tpu.memref_squeeze %parallel_loop3A_671 : memref<1x4x16x512xf32, #tpu.memory_space<vmem>> -> memref<4x16x512xf32, #tpu.memory_space<vmem>>
      %parallel_loop3A_673 = arith.index_cast %parallel_loop3A_667 : i32 to index
      %parallel_loop3A_674 = arith.index_cast %parallel_loop3A_600 : i32 to index
      %parallel_loop3A_675 = arith.index_cast %parallel_loop3A_618 : i32 to index
      %parallel_loop3A_676 = tpu.vector_load %parallel_loop3A_672[%parallel_loop3A_673, %parallel_loop3A_674, %parallel_loop3A_675] {strides = array<i32>} : memref<4x16x512xf32, #tpu.memory_space<vmem>>, vector<16xf32>,
      tpu.vector_store %parallel_loop3A_672[%parallel_loop3A_673, %parallel_loop3A_674, %parallel_loop3A_675], %parallel_loop3A_666 {strides = array<i32>} : memref<4x16x512xf32, #tpu.memory_space<vmem>>, vector<16xf32>,
      %parallel_loop3A_677 = arith.constant 24 : i32
      %parallel_loop3A_678 = vector.broadcast %parallel_loop3A_677 : i32 to vector<16xi32>
      %parallel_loop3A_679 = arith.shrsi %parallel_loop3A_625, %parallel_loop3A_678 : vector<16xi32>
      %parallel_loop3A_680 = arith.constant 255 : i32
      %parallel_loop3A_681 = vector.broadcast %parallel_loop3A_680 : i32 to vector<16xi32>
      %parallel_loop3A_682 = arith.andi %parallel_loop3A_679, %parallel_loop3A_681 : vector<16xi32>
      %parallel_loop3A_683 = tpu.vector_load_idx %arg5[%parallel_loop3A_682] : memref<19xf32, #tpu.memory_space<vmem>>[vector<16xi32>], vector<16xf32>,
      %parallel_loop3A_684 = arith.constant 3 : i32
      %parallel_loop3A_685 = arith.constant 0 : i32
      %parallel_loop3A_686 = arith.constant 0 : i32
      %parallel_loop3A_687 = arith.constant 0 : i32
      %parallel_loop3A_688 = tpu.memref_slice %arg7[%parallel_loop3A_132, %parallel_loop3A_685, %parallel_loop3A_686, %parallel_loop3A_687] : memref<2x4x16x512xf32, #tpu.memory_space<vmem>> -> memref<1x4x16x512xf32, #tpu.memory_space<vmem>>
      %parallel_loop3A_689 = tpu.memref_squeeze %parallel_loop3A_688 : memref<1x4x16x512xf32, #tpu.memory_space<vmem>> -> memref<4x16x512xf32, #tpu.memory_space<vmem>>
      %parallel_loop3A_690 = arith.index_cast %parallel_loop3A_684 : i32 to index
      %parallel_loop3A_691 = arith.index_cast %parallel_loop3A_600 : i32 to index
      %parallel_loop3A_692 = arith.index_cast %parallel_loop3A_618 : i32 to index
      %parallel_loop3A_693 = tpu.vector_load %parallel_loop3A_689[%parallel_loop3A_690, %parallel_loop3A_691, %parallel_loop3A_692] {strides = array<i32>} : memref<4x16x512xf32, #tpu.memory_space<vmem>>, vector<16xf32>,
      tpu.vector_store %parallel_loop3A_689[%parallel_loop3A_690, %parallel_loop3A_691, %parallel_loop3A_692], %parallel_loop3A_683 {strides = array<i32>} : memref<4x16x512xf32, #tpu.memory_space<vmem>>, vector<16xf32>,
    } {sc.loop_unroll_factor = 8 : i64, sc.parallel_access}
    %add3A_133 = arith.constant 0 : i32
    %add3A_134 = arith.addi %mul3A_2, %add3A_133 : i32
    %jit3A_135 = arith.constant 512 : i32
    %div3A_136 = arith.divsi %add3A_134, %jit3A_135 : i32
    %sign3A_137 = arith.constant 0 : i32
    %sign3A_138 = arith.cmpi sgt, %add3A_134, %sign3A_137 : i32
    %sign3A_139 = arith.extui %sign3A_138 : i1 to i32
    %sign3A_140 = arith.constant 0 : i32
    %sign3A_141 = arith.cmpi slt, %add3A_134, %sign3A_140 : i32
    %sign3A_142 = arith.extui %sign3A_141 : i1 to i32
    %sign3A_143 = arith.subi %sign3A_139, %sign3A_142 : i32
    %sign3A_144 = arith.constant 0 : i32
    %sign3A_145 = arith.cmpi sgt, %jit3A_135, %sign3A_144 : i32
    %sign3A_146 = arith.extui %sign3A_145 : i1 to i32
    %sign3A_147 = arith.constant 0 : i32
    %sign3A_148 = arith.cmpi slt, %jit3A_135, %sign3A_147 : i32
    %sign3A_149 = arith.extui %sign3A_148 : i1 to i32
    %sign3A_150 = arith.subi %sign3A_146, %sign3A_149 : i32
    %ne3A_151 = arith.cmpi ne, %sign3A_143, %sign3A_150 : i32
    %rem3A_152 = arith.remsi %add3A_134, %jit3A_135 : i32
    %ne3A_153 = arith.constant 0 : i32
    %ne3A_154 = arith.cmpi ne, %rem3A_152, %ne3A_153 : i32
    %and3A_155 = arith.andi %ne3A_151, %ne3A_154 : i1
    %sub3A_156 = arith.constant 1 : i32
    %sub3A_157 = arith.subi %div3A_136, %sub3A_156 : i32
    %select_n3A_158 = arith.select %and3A_155, %sub3A_157, %div3A_136 : i32
    %jit3A_159 = arith.constant 512 : i32
    %eq3A_160 = arith.constant 0 : i32
    %eq3A_161 = arith.cmpi eq, %jit3A_159, %eq3A_160 : i32
    %jit3A_162 = arith.constant 1 : i32
    %select_n3A_163 = arith.select %eq3A_161, %jit3A_162, %jit3A_159 : i32
    %rem3A_164 = arith.remsi %add3A_134, %select_n3A_163 : i32
    %ne3A_165 = arith.constant 0 : i32
    %ne3A_166 = arith.cmpi ne, %rem3A_164, %ne3A_165 : i32
    %lt3A_167 = arith.constant 0 : i32
    %lt3A_168 = arith.cmpi slt, %rem3A_164, %lt3A_167 : i32
    %lt3A_169 = arith.constant 0 : i32
    %lt3A_170 = arith.cmpi slt, %select_n3A_163, %lt3A_169 : i32
    %ne3A_171 = arith.xori %lt3A_168, %lt3A_170 : i1
    %and3A_172 = arith.andi %ne3A_171, %ne3A_166 : i1
    %add3A_173 = arith.addi %rem3A_164, %select_n3A_163 : i32
    %select_n3A_174 = arith.select %and3A_172, %add3A_173, %rem3A_164 : i32
    %mul3A_175 = arith.constant 4 : i32
    %mul3A_176 = arith.muli %mul3A_175, %select_n3A_158 : i32
    %add3A_177 = arith.constant 0 : i32
    %add3A_178 = arith.addi %mul3A_176, %add3A_177 : i32
    %dma_start3A_179 = arith.constant 0 : i32
    %dma_start3A_180 = arith.constant 0 : i32
    %dma_start3A_181 = arith.constant 0 : i32
    %dma_start3A_182 = arith.constant 0 : i32
    %dma_start3A_183 = arith.constant 0 : i32
    %dma_start3A_184 = tpu.memref_slice %arg7[%dma_start3A_179, %dma_start3A_180, %dma_start3A_182, %dma_start3A_183] : memref<2x4x16x512xf32, #tpu.memory_space<vmem>> -> memref<1x1x16x512xf32, #tpu.memory_space<vmem>>
    %dma_start3A_185 = tpu.memref_squeeze %dma_start3A_184 : memref<1x1x16x512xf32, #tpu.memory_space<vmem>> -> memref<16x512xf32, #tpu.memory_space<vmem>>
    %dma_start3A_186 = arith.constant 0 : i32
    %dma_start3A_187 = tpu.memref_slice %arg4[%add3A_178, %select_n3A_174, %dma_start3A_186] : memref<8x512x512xf32, #tpu.memory_space<hbm>> -> memref<1x16x512xf32, #tpu.memory_space<hbm>>
    %dma_start3A_188 = tpu.memref_squeeze %dma_start3A_187 : memref<1x16x512xf32, #tpu.memory_space<hbm>> -> memref<16x512xf32, #tpu.memory_space<hbm>>
    %dma_start3A_189 = tpu.memref_slice %arg9[%dma_start3A_181] : memref<2x!tpu.dma_semaphore, #tpu.memory_space<semaphore_mem>> -> memref<1x!tpu.dma_semaphore, #tpu.memory_space<semaphore_mem>>
    %dma_start3A_190 = tpu.memref_squeeze %dma_start3A_189 : memref<1x!tpu.dma_semaphore, #tpu.memory_space<semaphore_mem>> -> memref<!tpu.dma_semaphore, #tpu.memory_space<semaphore_mem>>
    %dma_start3A_191 = arith.constant 0 : i32
    %dma_start3A_192 = tpu.memref_slice %arg4[%add3A_178, %select_n3A_174, %dma_start3A_191] : memref<8x512x512xf32, #tpu.memory_space<hbm>> -> memref<1x16x512xf32, #tpu.memory_space<hbm>>
    %dma_start3A_193 = tpu.memref_squeeze %dma_start3A_192 : memref<1x16x512xf32, #tpu.memory_space<hbm>> -> memref<16x512xf32, #tpu.memory_space<hbm>>
    %dma_start3A_194 = arith.constant 0 : i32
    %dma_start3A_195 = arith.constant 0 : i32
    %dma_start3A_196 = tpu.memref_slice %arg7[%dma_start3A_179, %dma_start3A_180, %dma_start3A_194, %dma_start3A_195] : memref<2x4x16x512xf32, #tpu.memory_space<vmem>> -> memref<1x1x16x512xf32, #tpu.memory_space<vmem>>
    %dma_start3A_197 = tpu.memref_squeeze %dma_start3A_196 : memref<1x1x16x512xf32, #tpu.memory_space<vmem>> -> memref<16x512xf32, #tpu.memory_space<vmem>>
    tpu.enqueue_dma source(%dma_start3A_197 : memref<16x512xf32, #tpu.memory_space<vmem>>) target(%dma_start3A_193 : memref<16x512xf32, #tpu.memory_space<hbm>>) target_semaphore(%dma_start3A_190 : memref<!tpu.dma_semaphore, #tpu.memory_space<semaphore_mem>>)
    %mul3A_198 = arith.constant 4 : i32
    %mul3A_199 = arith.muli %mul3A_198, %select_n3A_158 : i32
    %add3A_200 = arith.constant 1 : i32
    %add3A_201 = arith.addi %mul3A_199, %add3A_200 : i32
    %dma_start3A_202 = arith.constant 0 : i32
    %dma_start3A_203 = arith.constant 1 : i32
    %dma_start3A_204 = arith.constant 0 : i32
    %dma_start3A_205 = arith.constant 0 : i32
    %dma_start3A_206 = arith.constant 0 : i32
    %dma_start3A_207 = tpu.memref_slice %arg7[%dma_start3A_202, %dma_start3A_203, %dma_start3A_205, %dma_start3A_206] : memref<2x4x16x512xf32, #tpu.memory_space<vmem>> -> memref<1x1x16x512xf32, #tpu.memory_space<vmem>>
    %dma_start3A_208 = tpu.memref_squeeze %dma_start3A_207 : memref<1x1x16x512xf32, #tpu.memory_space<vmem>> -> memref<16x512xf32, #tpu.memory_space<vmem>>
    %dma_start3A_209 = arith.constant 0 : i32
    %dma_start3A_210 = tpu.memref_slice %arg4[%add3A_201, %select_n3A_174, %dma_start3A_209] : memref<8x512x512xf32, #tpu.memory_space<hbm>> -> memref<1x16x512xf32, #tpu.memory_space<hbm>>
    %dma_start3A_211 = tpu.memref_squeeze %dma_start3A_210 : memref<1x16x512xf32, #tpu.memory_space<hbm>> -> memref<16x512xf32, #tpu.memory_space<hbm>>
    %dma_start3A_212 = tpu.memref_slice %arg9[%dma_start3A_204] : memref<2x!tpu.dma_semaphore, #tpu.memory_space<semaphore_mem>> -> memref<1x!tpu.dma_semaphore, #tpu.memory_space<semaphore_mem>>
    %dma_start3A_213 = tpu.memref_squeeze %dma_start3A_212 : memref<1x!tpu.dma_semaphore, #tpu.memory_space<semaphore_mem>> -> memref<!tpu.dma_semaphore, #tpu.memory_space<semaphore_mem>>
    %dma_start3A_214 = arith.constant 0 : i32
    %dma_start3A_215 = tpu.memref_slice %arg4[%add3A_201, %select_n3A_174, %dma_start3A_214] : memref<8x512x512xf32, #tpu.memory_space<hbm>> -> memref<1x16x512xf32, #tpu.memory_space<hbm>>
    %dma_start3A_216 = tpu.memref_squeeze %dma_start3A_215 : memref<1x16x512xf32, #tpu.memory_space<hbm>> -> memref<16x512xf32, #tpu.memory_space<hbm>>
    %dma_start3A_217 = arith.constant 0 : i32
    %dma_start3A_218 = arith.constant 0 : i32
    %dma_start3A_219 = tpu.memref_slice %arg7[%dma_start3A_202, %dma_start3A_203, %dma_start3A_217, %dma_start3A_218] : memref<2x4x16x512xf32, #tpu.memory_space<vmem>> -> memref<1x1x16x512xf32, #tpu.memory_space<vmem>>
    %dma_start3A_220 = tpu.memref_squeeze %dma_start3A_219 : memref<1x1x16x512xf32, #tpu.memory_space<vmem>> -> memref<16x512xf32, #tpu.memory_space<vmem>>
    tpu.enqueue_dma source(%dma_start3A_220 : memref<16x512xf32, #tpu.memory_space<vmem>>) target(%dma_start3A_216 : memref<16x512xf32, #tpu.memory_space<hbm>>) target_semaphore(%dma_start3A_213 : memref<!tpu.dma_semaphore, #tpu.memory_space<semaphore_mem>>)
    %mul3A_221 = arith.constant 4 : i32
    %mul3A_222 = arith.muli %mul3A_221, %select_n3A_158 : i32
    %add3A_223 = arith.constant 2 : i32
    %add3A_224 = arith.addi %mul3A_222, %add3A_223 : i32
    %dma_start3A_225 = arith.constant 0 : i32
    %dma_start3A_226 = arith.constant 2 : i32
    %dma_start3A_227 = arith.constant 0 : i32
    %dma_start3A_228 = arith.constant 0 : i32
    %dma_start3A_229 = arith.constant 0 : i32
    %dma_start3A_230 = tpu.memref_slice %arg7[%dma_start3A_225, %dma_start3A_226, %dma_start3A_228, %dma_start3A_229] : memref<2x4x16x512xf32, #tpu.memory_space<vmem>> -> memref<1x1x16x512xf32, #tpu.memory_space<vmem>>
    %dma_start3A_231 = tpu.memref_squeeze %dma_start3A_230 : memref<1x1x16x512xf32, #tpu.memory_space<vmem>> -> memref<16x512xf32, #tpu.memory_space<vmem>>
    %dma_start3A_232 = arith.constant 0 : i32
    %dma_start3A_233 = tpu.memref_slice %arg4[%add3A_224, %select_n3A_174, %dma_start3A_232] : memref<8x512x512xf32, #tpu.memory_space<hbm>> -> memref<1x16x512xf32, #tpu.memory_space<hbm>>
    %dma_start3A_234 = tpu.memref_squeeze %dma_start3A_233 : memref<1x16x512xf32, #tpu.memory_space<hbm>> -> memref<16x512xf32, #tpu.memory_space<hbm>>
    %dma_start3A_235 = tpu.memref_slice %arg9[%dma_start3A_227] : memref<2x!tpu.dma_semaphore, #tpu.memory_space<semaphore_mem>> -> memref<1x!tpu.dma_semaphore, #tpu.memory_space<semaphore_mem>>
    %dma_start3A_236 = tpu.memref_squeeze %dma_start3A_235 : memref<1x!tpu.dma_semaphore, #tpu.memory_space<semaphore_mem>> -> memref<!tpu.dma_semaphore, #tpu.memory_space<semaphore_mem>>
    %dma_start3A_237 = arith.constant 0 : i32
    %dma_start3A_238 = tpu.memref_slice %arg4[%add3A_224, %select_n3A_174, %dma_start3A_237] : memref<8x512x512xf32, #tpu.memory_space<hbm>> -> memref<1x16x512xf32, #tpu.memory_space<hbm>>
    %dma_start3A_239 = tpu.memref_squeeze %dma_start3A_238 : memref<1x16x512xf32, #tpu.memory_space<hbm>> -> memref<16x512xf32, #tpu.memory_space<hbm>>
    %dma_start3A_240 = arith.constant 0 : i32
    %dma_start3A_241 = arith.constant 0 : i32
    %dma_start3A_242 = tpu.memref_slice %arg7[%dma_start3A_225, %dma_start3A_226, %dma_start3A_240, %dma_start3A_241] : memref<2x4x16x512xf32, #tpu.memory_space<vmem>> -> memref<1x1x16x512xf32, #tpu.memory_space<vmem>>
    %dma_start3A_243 = tpu.memref_squeeze %dma_start3A_242 : memref<1x1x16x512xf32, #tpu.memory_space<vmem>> -> memref<16x512xf32, #tpu.memory_space<vmem>>
    tpu.enqueue_dma source(%dma_start3A_243 : memref<16x512xf32, #tpu.memory_space<vmem>>) target(%dma_start3A_239 : memref<16x512xf32, #tpu.memory_space<hbm>>) target_semaphore(%dma_start3A_236 : memref<!tpu.dma_semaphore, #tpu.memory_space<semaphore_mem>>)
    %mul3A_244 = arith.constant 4 : i32
    %mul3A_245 = arith.muli %mul3A_244, %select_n3A_158 : i32
    %add3A_246 = arith.constant 3 : i32
    %add3A_247 = arith.addi %mul3A_245, %add3A_246 : i32
    %dma_start3A_248 = arith.constant 0 : i32
    %dma_start3A_249 = arith.constant 3 : i32
    %dma_start3A_250 = arith.constant 0 : i32
    %dma_start3A_251 = arith.constant 0 : i32
    %dma_start3A_252 = arith.constant 0 : i32
    %dma_start3A_253 = tpu.memref_slice %arg7[%dma_start3A_248, %dma_start3A_249, %dma_start3A_251, %dma_start3A_252] : memref<2x4x16x512xf32, #tpu.memory_space<vmem>> -> memref<1x1x16x512xf32, #tpu.memory_space<vmem>>
    %dma_start3A_254 = tpu.memref_squeeze %dma_start3A_253 : memref<1x1x16x512xf32, #tpu.memory_space<vmem>> -> memref<16x512xf32, #tpu.memory_space<vmem>>
    %dma_start3A_255 = arith.constant 0 : i32
    %dma_start3A_256 = tpu.memref_slice %arg4[%add3A_247, %select_n3A_174, %dma_start3A_255] : memref<8x512x512xf32, #tpu.memory_space<hbm>> -> memref<1x16x512xf32, #tpu.memory_space<hbm>>
    %dma_start3A_257 = tpu.memref_squeeze %dma_start3A_256 : memref<1x16x512xf32, #tpu.memory_space<hbm>> -> memref<16x512xf32, #tpu.memory_space<hbm>>
    %dma_start3A_258 = tpu.memref_slice %arg9[%dma_start3A_250] : memref<2x!tpu.dma_semaphore, #tpu.memory_space<semaphore_mem>> -> memref<1x!tpu.dma_semaphore, #tpu.memory_space<semaphore_mem>>
    %dma_start3A_259 = tpu.memref_squeeze %dma_start3A_258 : memref<1x!tpu.dma_semaphore, #tpu.memory_space<semaphore_mem>> -> memref<!tpu.dma_semaphore, #tpu.memory_space<semaphore_mem>>
    %dma_start3A_260 = arith.constant 0 : i32
    %dma_start3A_261 = tpu.memref_slice %arg4[%add3A_247, %select_n3A_174, %dma_start3A_260] : memref<8x512x512xf32, #tpu.memory_space<hbm>> -> memref<1x16x512xf32, #tpu.memory_space<hbm>>
    %dma_start3A_262 = tpu.memref_squeeze %dma_start3A_261 : memref<1x16x512xf32, #tpu.memory_space<hbm>> -> memref<16x512xf32, #tpu.memory_space<hbm>>
    %dma_start3A_263 = arith.constant 0 : i32
    %dma_start3A_264 = arith.constant 0 : i32
    %dma_start3A_265 = tpu.memref_slice %arg7[%dma_start3A_248, %dma_start3A_249, %dma_start3A_263, %dma_start3A_264] : memref<2x4x16x512xf32, #tpu.memory_space<vmem>> -> memref<1x1x16x512xf32, #tpu.memory_space<vmem>>
    %dma_start3A_266 = tpu.memref_squeeze %dma_start3A_265 : memref<1x1x16x512xf32, #tpu.memory_space<vmem>> -> memref<16x512xf32, #tpu.memory_space<vmem>>
    tpu.enqueue_dma source(%dma_start3A_266 : memref<16x512xf32, #tpu.memory_space<vmem>>) target(%dma_start3A_262 : memref<16x512xf32, #tpu.memory_space<hbm>>) target_semaphore(%dma_start3A_259 : memref<!tpu.dma_semaphore, #tpu.memory_space<semaphore_mem>>)
    %dma_wait3A_267 = arith.constant 1 : i32
    %dma_wait3A_268 = arith.constant 1 : i32
    %dma_wait3A_269 = arith.constant 0 : i32
    %dma_wait3A_270 = arith.constant 0 : i32
    %dma_wait3A_271 = tpu.memref_slice %arg6[%dma_wait3A_267, %dma_wait3A_269, %dma_wait3A_270] : memref<2x16x512xi32, #tpu.memory_space<vmem>> -> memref<1x16x512xi32, #tpu.memory_space<vmem>>
    %dma_wait3A_272 = tpu.memref_squeeze %dma_wait3A_271 : memref<1x16x512xi32, #tpu.memory_space<vmem>> -> memref<16x512xi32, #tpu.memory_space<vmem>>
    %dma_wait3A_273 = arith.constant 0 : i32
    %dma_wait3A_274 = tpu.memref_slice %arg3[%select_n3A_77, %select_n3A_93, %dma_wait3A_273] : memref<2x512x512xi32, #tpu.memory_space<hbm>> -> memref<1x16x512xi32, #tpu.memory_space<hbm>>
    %dma_wait3A_275 = tpu.memref_squeeze %dma_wait3A_274 : memref<1x16x512xi32, #tpu.memory_space<hbm>> -> memref<16x512xi32, #tpu.memory_space<hbm>>
    %dma_wait3A_276 = tpu.memref_slice %arg8[%dma_wait3A_268] : memref<2x!tpu.dma_semaphore, #tpu.memory_space<semaphore_mem>> -> memref<1x!tpu.dma_semaphore, #tpu.memory_space<semaphore_mem>>
    %dma_wait3A_277 = tpu.memref_squeeze %dma_wait3A_276 : memref<1x!tpu.dma_semaphore, #tpu.memory_space<semaphore_mem>> -> memref<!tpu.dma_semaphore, #tpu.memory_space<semaphore_mem>>
    %dma_wait3A_278 = arith.constant 0 : i32
    %dma_wait3A_279 = arith.constant 0 : i32
    %dma_wait3A_280 = tpu.memref_slice %arg6[%dma_wait3A_267, %dma_wait3A_278, %dma_wait3A_279] : memref<2x16x512xi32, #tpu.memory_space<vmem>> -> memref<1x16x512xi32, #tpu.memory_space<vmem>>
    %dma_wait3A_281 = tpu.memref_squeeze %dma_wait3A_280 : memref<1x16x512xi32, #tpu.memory_space<vmem>> -> memref<16x512xi32, #tpu.memory_space<vmem>>
    %dma_wait3A_282 = arith.constant 0 : i32
    %dma_wait3A_283 = tpu.memref_slice %arg3[%select_n3A_77, %select_n3A_93, %dma_wait3A_282] : memref<2x512x512xi32, #tpu.memory_space<hbm>> -> memref<1x16x512xi32, #tpu.memory_space<hbm>>
    %dma_wait3A_284 = tpu.memref_squeeze %dma_wait3A_283 : memref<1x16x512xi32, #tpu.memory_space<hbm>> -> memref<16x512xi32, #tpu.memory_space<hbm>>
    tpu.wait_dma2 semaphore(%dma_wait3A_277 : memref<!tpu.dma_semaphore, #tpu.memory_space<semaphore_mem>>) src(%dma_wait3A_284 : memref<16x512xi32, #tpu.memory_space<hbm>>) dst(%dma_wait3A_281 : memref<16x512xi32, #tpu.memory_space<vmem>>)
    %parallel_loop3A_285 = arith.constant 0 : i32
    %parallel_loop3A_286 = arith.constant 512 : i32
    %parallel_loop3A_287 = arith.constant 1 : i32
    %parallel_loop3A_288 = arith.constant 1 : i32
    %parallel_loop3A_289 = arith.constant 1 : i32
    scf.for %parallel_loop3A_576 = %parallel_loop3A_285 to %parallel_loop3A_286 step %parallel_loop3A_287  : i32 {
      %parallel_loop3A_577 = arith.constant 32 : i32
      %parallel_loop3A_578 = arith.divsi %parallel_loop3A_576, %parallel_loop3A_577 : i32
      %parallel_loop3A_579 = arith.constant 0 : i32
      %parallel_loop3A_580 = arith.cmpi sgt, %parallel_loop3A_576, %parallel_loop3A_579 : i32
      %parallel_loop3A_581 = arith.extui %parallel_loop3A_580 : i1 to i32
      %parallel_loop3A_582 = arith.constant 0 : i32
      %parallel_loop3A_583 = arith.cmpi slt, %parallel_loop3A_576, %parallel_loop3A_582 : i32
      %parallel_loop3A_584 = arith.extui %parallel_loop3A_583 : i1 to i32
      %parallel_loop3A_585 = arith.subi %parallel_loop3A_581, %parallel_loop3A_584 : i32
      %parallel_loop3A_586 = arith.constant 0 : i32
      %parallel_loop3A_587 = arith.cmpi sgt, %parallel_loop3A_577, %parallel_loop3A_586 : i32
      %parallel_loop3A_588 = arith.extui %parallel_loop3A_587 : i1 to i32
      %parallel_loop3A_589 = arith.constant 0 : i32
      %parallel_loop3A_590 = arith.cmpi slt, %parallel_loop3A_577, %parallel_loop3A_589 : i32
      %parallel_loop3A_591 = arith.extui %parallel_loop3A_590 : i1 to i32
      %parallel_loop3A_592 = arith.subi %parallel_loop3A_588, %parallel_loop3A_591 : i32
      %parallel_loop3A_593 = arith.cmpi ne, %parallel_loop3A_585, %parallel_loop3A_592 : i32
      %parallel_loop3A_594 = arith.remsi %parallel_loop3A_576, %parallel_loop3A_577 : i32
      %parallel_loop3A_595 = arith.constant 0 : i32
      %parallel_loop3A_596 = arith.cmpi ne, %parallel_loop3A_594, %parallel_loop3A_595 : i32
      %parallel_loop3A_597 = arith.andi %parallel_loop3A_593, %parallel_loop3A_596 : i1
      %parallel_loop3A_598 = arith.constant 1 : i32
      %parallel_loop3A_599 = arith.subi %parallel_loop3A_578, %parallel_loop3A_598 : i32
      %parallel_loop3A_600 = arith.select %parallel_loop3A_597, %parallel_loop3A_599, %parallel_loop3A_578 : i32
      %parallel_loop3A_601 = arith.constant 32 : i32
      %parallel_loop3A_602 = arith.constant 0 : i32
      %parallel_loop3A_603 = arith.cmpi eq, %parallel_loop3A_601, %parallel_loop3A_602 : i32
      %parallel_loop3A_604 = arith.constant 1 : i32
      %parallel_loop3A_605 = arith.select %parallel_loop3A_603, %parallel_loop3A_604, %parallel_loop3A_601 : i32
      %parallel_loop3A_606 = arith.remsi %parallel_loop3A_576, %parallel_loop3A_605 : i32
      %parallel_loop3A_607 = arith.constant 0 : i32
      %parallel_loop3A_608 = arith.cmpi ne, %parallel_loop3A_606, %parallel_loop3A_607 : i32
      %parallel_loop3A_609 = arith.constant 0 : i32
      %parallel_loop3A_610 = arith.cmpi slt, %parallel_loop3A_606, %parallel_loop3A_609 : i32
      %parallel_loop3A_611 = arith.constant 0 : i32
      %parallel_loop3A_612 = arith.cmpi slt, %parallel_loop3A_605, %parallel_loop3A_611 : i32
      %parallel_loop3A_613 = arith.xori %parallel_loop3A_610, %parallel_loop3A_612 : i1
      %parallel_loop3A_614 = arith.andi %parallel_loop3A_613, %parallel_loop3A_608 : i1
      %parallel_loop3A_615 = arith.addi %parallel_loop3A_606, %parallel_loop3A_605 : i32
      %parallel_loop3A_616 = arith.select %parallel_loop3A_614, %parallel_loop3A_615, %parallel_loop3A_606 : i32
      %parallel_loop3A_617 = arith.constant 16 : i32
      %parallel_loop3A_618 = arith.muli %parallel_loop3A_616, %parallel_loop3A_617 : i32
      %parallel_loop3A_619 = arith.constant 0 : i32
      %parallel_loop3A_620 = arith.constant 0 : i32
      %parallel_loop3A_621 = tpu.memref_slice %arg6[%parallel_loop3A_288, %parallel_loop3A_619, %parallel_loop3A_620] : memref<2x16x512xi32, #tpu.memory_space<vmem>> -> memref<1x16x512xi32, #tpu.memory_space<vmem>>
      %parallel_loop3A_622 = tpu.memref_squeeze %parallel_loop3A_621 : memref<1x16x512xi32, #tpu.memory_space<vmem>> -> memref<16x512xi32, #tpu.memory_space<vmem>>
      %parallel_loop3A_623 = arith.index_cast %parallel_loop3A_600 : i32 to index
      %parallel_loop3A_624 = arith.index_cast %parallel_loop3A_618 : i32 to index
      %parallel_loop3A_625 = tpu.vector_load %parallel_loop3A_622[%parallel_loop3A_623, %parallel_loop3A_624] {strides = array<i32>} : memref<16x512xi32, #tpu.memory_space<vmem>>, vector<16xi32>,
      %parallel_loop3A_626 = arith.constant 0 : i32
      %parallel_loop3A_627 = vector.broadcast %parallel_loop3A_626 : i32 to vector<16xi32>
      %parallel_loop3A_628 = arith.shrsi %parallel_loop3A_625, %parallel_loop3A_627 : vector<16xi32>
      %parallel_loop3A_629 = arith.constant 255 : i32
      %parallel_loop3A_630 = vector.broadcast %parallel_loop3A_629 : i32 to vector<16xi32>
      %parallel_loop3A_631 = arith.andi %parallel_loop3A_628, %parallel_loop3A_630 : vector<16xi32>
      %parallel_loop3A_632 = tpu.vector_load_idx %arg5[%parallel_loop3A_631] : memref<19xf32, #tpu.memory_space<vmem>>[vector<16xi32>], vector<16xf32>,
      %parallel_loop3A_633 = arith.constant 0 : i32
      %parallel_loop3A_634 = arith.constant 0 : i32
      %parallel_loop3A_635 = arith.constant 0 : i32
      %parallel_loop3A_636 = arith.constant 0 : i32
      %parallel_loop3A_637 = tpu.memref_slice %arg7[%parallel_loop3A_289, %parallel_loop3A_634, %parallel_loop3A_635, %parallel_loop3A_636] : memref<2x4x16x512xf32, #tpu.memory_space<vmem>> -> memref<1x4x16x512xf32, #tpu.memory_space<vmem>>
      %parallel_loop3A_638 = tpu.memref_squeeze %parallel_loop3A_637 : memref<1x4x16x512xf32, #tpu.memory_space<vmem>> -> memref<4x16x512xf32, #tpu.memory_space<vmem>>
      %parallel_loop3A_639 = arith.index_cast %parallel_loop3A_633 : i32 to index
      %parallel_loop3A_640 = arith.index_cast %parallel_loop3A_600 : i32 to index
      %parallel_loop3A_641 = arith.index_cast %parallel_loop3A_618 : i32 to index
      %parallel_loop3A_642 = tpu.vector_load %parallel_loop3A_638[%parallel_loop3A_639, %parallel_loop3A_640, %parallel_loop3A_641] {strides = array<i32>} : memref<4x16x512xf32, #tpu.memory_space<vmem>>, vector<16xf32>,
      tpu.vector_store %parallel_loop3A_638[%parallel_loop3A_639, %parallel_loop3A_640, %parallel_loop3A_641], %parallel_loop3A_632 {strides = array<i32>} : memref<4x16x512xf32, #tpu.memory_space<vmem>>, vector<16xf32>,
      %parallel_loop3A_643 = arith.constant 8 : i32
      %parallel_loop3A_644 = vector.broadcast %parallel_loop3A_643 : i32 to vector<16xi32>
      %parallel_loop3A_645 = arith.shrsi %parallel_loop3A_625, %parallel_loop3A_644 : vector<16xi32>
      %parallel_loop3A_646 = arith.constant 255 : i32
      %parallel_loop3A_647 = vector.broadcast %parallel_loop3A_646 : i32 to vector<16xi32>
      %parallel_loop3A_648 = arith.andi %parallel_loop3A_645, %parallel_loop3A_647 : vector<16xi32>
      %parallel_loop3A_649 = tpu.vector_load_idx %arg5[%parallel_loop3A_648] : memref<19xf32, #tpu.memory_space<vmem>>[vector<16xi32>], vector<16xf32>,
      %parallel_loop3A_650 = arith.constant 1 : i32
      %parallel_loop3A_651 = arith.constant 0 : i32
      %parallel_loop3A_652 = arith.constant 0 : i32
      %parallel_loop3A_653 = arith.constant 0 : i32
      %parallel_loop3A_654 = tpu.memref_slice %arg7[%parallel_loop3A_289, %parallel_loop3A_651, %parallel_loop3A_652, %parallel_loop3A_653] : memref<2x4x16x512xf32, #tpu.memory_space<vmem>> -> memref<1x4x16x512xf32, #tpu.memory_space<vmem>>
      %parallel_loop3A_655 = tpu.memref_squeeze %parallel_loop3A_654 : memref<1x4x16x512xf32, #tpu.memory_space<vmem>> -> memref<4x16x512xf32, #tpu.memory_space<vmem>>
      %parallel_loop3A_656 = arith.index_cast %parallel_loop3A_650 : i32 to index
      %parallel_loop3A_657 = arith.index_cast %parallel_loop3A_600 : i32 to index
      %parallel_loop3A_658 = arith.index_cast %parallel_loop3A_618 : i32 to index
      %parallel_loop3A_659 = tpu.vector_load %parallel_loop3A_655[%parallel_loop3A_656, %parallel_loop3A_657, %parallel_loop3A_658] {strides = array<i32>} : memref<4x16x512xf32, #tpu.memory_space<vmem>>, vector<16xf32>,
      tpu.vector_store %parallel_loop3A_655[%parallel_loop3A_656, %parallel_loop3A_657, %parallel_loop3A_658], %parallel_loop3A_649 {strides = array<i32>} : memref<4x16x512xf32, #tpu.memory_space<vmem>>, vector<16xf32>,
      %parallel_loop3A_660 = arith.constant 16 : i32
      %parallel_loop3A_661 = vector.broadcast %parallel_loop3A_660 : i32 to vector<16xi32>
      %parallel_loop3A_662 = arith.shrsi %parallel_loop3A_625, %parallel_loop3A_661 : vector<16xi32>
      %parallel_loop3A_663 = arith.constant 255 : i32
      %parallel_loop3A_664 = vector.broadcast %parallel_loop3A_663 : i32 to vector<16xi32>
      %parallel_loop3A_665 = arith.andi %parallel_loop3A_662, %parallel_loop3A_664 : vector<16xi32>
      %parallel_loop3A_666 = tpu.vector_load_idx %arg5[%parallel_loop3A_665] : memref<19xf32, #tpu.memory_space<vmem>>[vector<16xi32>], vector<16xf32>,
      %parallel_loop3A_667 = arith.constant 2 : i32
      %parallel_loop3A_668 = arith.constant 0 : i32
      %parallel_loop3A_669 = arith.constant 0 : i32
      %parallel_loop3A_670 = arith.constant 0 : i32
      %parallel_loop3A_671 = tpu.memref_slice %arg7[%parallel_loop3A_289, %parallel_loop3A_668, %parallel_loop3A_669, %parallel_loop3A_670] : memref<2x4x16x512xf32, #tpu.memory_space<vmem>> -> memref<1x4x16x512xf32, #tpu.memory_space<vmem>>
      %parallel_loop3A_672 = tpu.memref_squeeze %parallel_loop3A_671 : memref<1x4x16x512xf32, #tpu.memory_space<vmem>> -> memref<4x16x512xf32, #tpu.memory_space<vmem>>
      %parallel_loop3A_673 = arith.index_cast %parallel_loop3A_667 : i32 to index
      %parallel_loop3A_674 = arith.index_cast %parallel_loop3A_600 : i32 to index
      %parallel_loop3A_675 = arith.index_cast %parallel_loop3A_618 : i32 to index
      %parallel_loop3A_676 = tpu.vector_load %parallel_loop3A_672[%parallel_loop3A_673, %parallel_loop3A_674, %parallel_loop3A_675] {strides = array<i32>} : memref<4x16x512xf32, #tpu.memory_space<vmem>>, vector<16xf32>,
      tpu.vector_store %parallel_loop3A_672[%parallel_loop3A_673, %parallel_loop3A_674, %parallel_loop3A_675], %parallel_loop3A_666 {strides = array<i32>} : memref<4x16x512xf32, #tpu.memory_space<vmem>>, vector<16xf32>,
      %parallel_loop3A_677 = arith.constant 24 : i32
      %parallel_loop3A_678 = vector.broadcast %parallel_loop3A_677 : i32 to vector<16xi32>
      %parallel_loop3A_679 = arith.shrsi %parallel_loop3A_625, %parallel_loop3A_678 : vector<16xi32>
      %parallel_loop3A_680 = arith.constant 255 : i32
      %parallel_loop3A_681 = vector.broadcast %parallel_loop3A_680 : i32 to vector<16xi32>
      %parallel_loop3A_682 = arith.andi %parallel_loop3A_679, %parallel_loop3A_681 : vector<16xi32>
      %parallel_loop3A_683 = tpu.vector_load_idx %arg5[%parallel_loop3A_682] : memref<19xf32, #tpu.memory_space<vmem>>[vector<16xi32>], vector<16xf32>,
      %parallel_loop3A_684 = arith.constant 3 : i32
      %parallel_loop3A_685 = arith.constant 0 : i32
      %parallel_loop3A_686 = arith.constant 0 : i32
      %parallel_loop3A_687 = arith.constant 0 : i32
      %parallel_loop3A_688 = tpu.memref_slice %arg7[%parallel_loop3A_289, %parallel_loop3A_685, %parallel_loop3A_686, %parallel_loop3A_687] : memref<2x4x16x512xf32, #tpu.memory_space<vmem>> -> memref<1x4x16x512xf32, #tpu.memory_space<vmem>>
      %parallel_loop3A_689 = tpu.memref_squeeze %parallel_loop3A_688 : memref<1x4x16x512xf32, #tpu.memory_space<vmem>> -> memref<4x16x512xf32, #tpu.memory_space<vmem>>
      %parallel_loop3A_690 = arith.index_cast %parallel_loop3A_684 : i32 to index
      %parallel_loop3A_691 = arith.index_cast %parallel_loop3A_600 : i32 to index
      %parallel_loop3A_692 = arith.index_cast %parallel_loop3A_618 : i32 to index
      %parallel_loop3A_693 = tpu.vector_load %parallel_loop3A_689[%parallel_loop3A_690, %parallel_loop3A_691, %parallel_loop3A_692] {strides = array<i32>} : memref<4x16x512xf32, #tpu.memory_space<vmem>>, vector<16xf32>,
      tpu.vector_store %parallel_loop3A_689[%parallel_loop3A_690, %parallel_loop3A_691, %parallel_loop3A_692], %parallel_loop3A_683 {strides = array<i32>} : memref<4x16x512xf32, #tpu.memory_space<vmem>>, vector<16xf32>,
    } {sc.loop_unroll_factor = 8 : i64, sc.parallel_access}
    %add3A_290 = arith.constant 16 : i32
    %add3A_291 = arith.addi %mul3A_2, %add3A_290 : i32
    %jit3A_292 = arith.constant 512 : i32
    %div3A_293 = arith.divsi %add3A_291, %jit3A_292 : i32
    %sign3A_294 = arith.constant 0 : i32
    %sign3A_295 = arith.cmpi sgt, %add3A_291, %sign3A_294 : i32
    %sign3A_296 = arith.extui %sign3A_295 : i1 to i32
    %sign3A_297 = arith.constant 0 : i32
    %sign3A_298 = arith.cmpi slt, %add3A_291, %sign3A_297 : i32
    %sign3A_299 = arith.extui %sign3A_298 : i1 to i32
    %sign3A_300 = arith.subi %sign3A_296, %sign3A_299 : i32
    %sign3A_301 = arith.constant 0 : i32
    %sign3A_302 = arith.cmpi sgt, %jit3A_292, %sign3A_301 : i32
    %sign3A_303 = arith.extui %sign3A_302 : i1 to i32
    %sign3A_304 = arith.constant 0 : i32
    %sign3A_305 = arith.cmpi slt, %jit3A_292, %sign3A_304 : i32
    %sign3A_306 = arith.extui %sign3A_305 : i1 to i32
    %sign3A_307 = arith.subi %sign3A_303, %sign3A_306 : i32
    %ne3A_308 = arith.cmpi ne, %sign3A_300, %sign3A_307 : i32
    %rem3A_309 = arith.remsi %add3A_291, %jit3A_292 : i32
    %ne3A_310 = arith.constant 0 : i32
    %ne3A_311 = arith.cmpi ne, %rem3A_309, %ne3A_310 : i32
    %and3A_312 = arith.andi %ne3A_308, %ne3A_311 : i1
    %sub3A_313 = arith.constant 1 : i32
    %sub3A_314 = arith.subi %div3A_293, %sub3A_313 : i32
    %select_n3A_315 = arith.select %and3A_312, %sub3A_314, %div3A_293 : i32
    %jit3A_316 = arith.constant 512 : i32
    %eq3A_317 = arith.constant 0 : i32
    %eq3A_318 = arith.cmpi eq, %jit3A_316, %eq3A_317 : i32
    %jit3A_319 = arith.constant 1 : i32
    %select_n3A_320 = arith.select %eq3A_318, %jit3A_319, %jit3A_316 : i32
    %rem3A_321 = arith.remsi %add3A_291, %select_n3A_320 : i32
    %ne3A_322 = arith.constant 0 : i32
    %ne3A_323 = arith.cmpi ne, %rem3A_321, %ne3A_322 : i32
    %lt3A_324 = arith.constant 0 : i32
    %lt3A_325 = arith.cmpi slt, %rem3A_321, %lt3A_324 : i32
    %lt3A_326 = arith.constant 0 : i32
    %lt3A_327 = arith.cmpi slt, %select_n3A_320, %lt3A_326 : i32
    %ne3A_328 = arith.xori %lt3A_325, %lt3A_327 : i1
    %and3A_329 = arith.andi %ne3A_328, %ne3A_323 : i1
    %add3A_330 = arith.addi %rem3A_321, %select_n3A_320 : i32
    %select_n3A_331 = arith.select %and3A_329, %add3A_330, %rem3A_321 : i32
    %mul3A_332 = arith.constant 4 : i32
    %mul3A_333 = arith.muli %mul3A_332, %select_n3A_315 : i32
    %add3A_334 = arith.constant 0 : i32
    %add3A_335 = arith.addi %mul3A_333, %add3A_334 : i32
    %dma_start3A_336 = arith.constant 1 : i32
    %dma_start3A_337 = arith.constant 0 : i32
    %dma_start3A_338 = arith.constant 1 : i32
    %dma_start3A_339 = arith.constant 0 : i32
    %dma_start3A_340 = arith.constant 0 : i32
    %dma_start3A_341 = tpu.memref_slice %arg7[%dma_start3A_336, %dma_start3A_337, %dma_start3A_339, %dma_start3A_340] : memref<2x4x16x512xf32, #tpu.memory_space<vmem>> -> memref<1x1x16x512xf32, #tpu.memory_space<vmem>>
    %dma_start3A_342 = tpu.memref_squeeze %dma_start3A_341 : memref<1x1x16x512xf32, #tpu.memory_space<vmem>> -> memref<16x512xf32, #tpu.memory_space<vmem>>
    %dma_start3A_343 = arith.constant 0 : i32
    %dma_start3A_344 = tpu.memref_slice %arg4[%add3A_335, %select_n3A_331, %dma_start3A_343] : memref<8x512x512xf32, #tpu.memory_space<hbm>> -> memref<1x16x512xf32, #tpu.memory_space<hbm>>
    %dma_start3A_345 = tpu.memref_squeeze %dma_start3A_344 : memref<1x16x512xf32, #tpu.memory_space<hbm>> -> memref<16x512xf32, #tpu.memory_space<hbm>>
    %dma_start3A_346 = tpu.memref_slice %arg9[%dma_start3A_338] : memref<2x!tpu.dma_semaphore, #tpu.memory_space<semaphore_mem>> -> memref<1x!tpu.dma_semaphore, #tpu.memory_space<semaphore_mem>>
    %dma_start3A_347 = tpu.memref_squeeze %dma_start3A_346 : memref<1x!tpu.dma_semaphore, #tpu.memory_space<semaphore_mem>> -> memref<!tpu.dma_semaphore, #tpu.memory_space<semaphore_mem>>
    %dma_start3A_348 = arith.constant 0 : i32
    %dma_start3A_349 = tpu.memref_slice %arg4[%add3A_335, %select_n3A_331, %dma_start3A_348] : memref<8x512x512xf32, #tpu.memory_space<hbm>> -> memref<1x16x512xf32, #tpu.memory_space<hbm>>
    %dma_start3A_350 = tpu.memref_squeeze %dma_start3A_349 : memref<1x16x512xf32, #tpu.memory_space<hbm>> -> memref<16x512xf32, #tpu.memory_space<hbm>>
    %dma_start3A_351 = arith.constant 0 : i32
    %dma_start3A_352 = arith.constant 0 : i32
    %dma_start3A_353 = tpu.memref_slice %arg7[%dma_start3A_336, %dma_start3A_337, %dma_start3A_351, %dma_start3A_352] : memref<2x4x16x512xf32, #tpu.memory_space<vmem>> -> memref<1x1x16x512xf32, #tpu.memory_space<vmem>>
    %dma_start3A_354 = tpu.memref_squeeze %dma_start3A_353 : memref<1x1x16x512xf32, #tpu.memory_space<vmem>> -> memref<16x512xf32, #tpu.memory_space<vmem>>
    tpu.enqueue_dma source(%dma_start3A_354 : memref<16x512xf32, #tpu.memory_space<vmem>>) target(%dma_start3A_350 : memref<16x512xf32, #tpu.memory_space<hbm>>) target_semaphore(%dma_start3A_347 : memref<!tpu.dma_semaphore, #tpu.memory_space<semaphore_mem>>)
    %mul3A_355 = arith.constant 4 : i32
    %mul3A_356 = arith.muli %mul3A_355, %select_n3A_315 : i32
    %add3A_357 = arith.constant 1 : i32
    %add3A_358 = arith.addi %mul3A_356, %add3A_357 : i32
    %dma_start3A_359 = arith.constant 1 : i32
    %dma_start3A_360 = arith.constant 1 : i32
    %dma_start3A_361 = arith.constant 1 : i32
    %dma_start3A_362 = arith.constant 0 : i32
    %dma_start3A_363 = arith.constant 0 : i32
    %dma_start3A_364 = tpu.memref_slice %arg7[%dma_start3A_359, %dma_start3A_360, %dma_start3A_362, %dma_start3A_363] : memref<2x4x16x512xf32, #tpu.memory_space<vmem>> -> memref<1x1x16x512xf32, #tpu.memory_space<vmem>>
    %dma_start3A_365 = tpu.memref_squeeze %dma_start3A_364 : memref<1x1x16x512xf32, #tpu.memory_space<vmem>> -> memref<16x512xf32, #tpu.memory_space<vmem>>
    %dma_start3A_366 = arith.constant 0 : i32
    %dma_start3A_367 = tpu.memref_slice %arg4[%add3A_358, %select_n3A_331, %dma_start3A_366] : memref<8x512x512xf32, #tpu.memory_space<hbm>> -> memref<1x16x512xf32, #tpu.memory_space<hbm>>
    %dma_start3A_368 = tpu.memref_squeeze %dma_start3A_367 : memref<1x16x512xf32, #tpu.memory_space<hbm>> -> memref<16x512xf32, #tpu.memory_space<hbm>>
    %dma_start3A_369 = tpu.memref_slice %arg9[%dma_start3A_361] : memref<2x!tpu.dma_semaphore, #tpu.memory_space<semaphore_mem>> -> memref<1x!tpu.dma_semaphore, #tpu.memory_space<semaphore_mem>>
    %dma_start3A_370 = tpu.memref_squeeze %dma_start3A_369 : memref<1x!tpu.dma_semaphore, #tpu.memory_space<semaphore_mem>> -> memref<!tpu.dma_semaphore, #tpu.memory_space<semaphore_mem>>
    %dma_start3A_371 = arith.constant 0 : i32
    %dma_start3A_372 = tpu.memref_slice %arg4[%add3A_358, %select_n3A_331, %dma_start3A_371] : memref<8x512x512xf32, #tpu.memory_space<hbm>> -> memref<1x16x512xf32, #tpu.memory_space<hbm>>
    %dma_start3A_373 = tpu.memref_squeeze %dma_start3A_372 : memref<1x16x512xf32, #tpu.memory_space<hbm>> -> memref<16x512xf32, #tpu.memory_space<hbm>>
    %dma_start3A_374 = arith.constant 0 : i32
    %dma_start3A_375 = arith.constant 0 : i32
    %dma_start3A_376 = tpu.memref_slice %arg7[%dma_start3A_359, %dma_start3A_360, %dma_start3A_374, %dma_start3A_375] : memref<2x4x16x512xf32, #tpu.memory_space<vmem>> -> memref<1x1x16x512xf32, #tpu.memory_space<vmem>>
    %dma_start3A_377 = tpu.memref_squeeze %dma_start3A_376 : memref<1x1x16x512xf32, #tpu.memory_space<vmem>> -> memref<16x512xf32, #tpu.memory_space<vmem>>
    tpu.enqueue_dma source(%dma_start3A_377 : memref<16x512xf32, #tpu.memory_space<vmem>>) target(%dma_start3A_373 : memref<16x512xf32, #tpu.memory_space<hbm>>) target_semaphore(%dma_start3A_370 : memref<!tpu.dma_semaphore, #tpu.memory_space<semaphore_mem>>)
    %mul3A_378 = arith.constant 4 : i32
    %mul3A_379 = arith.muli %mul3A_378, %select_n3A_315 : i32
    %add3A_380 = arith.constant 2 : i32
    %add3A_381 = arith.addi %mul3A_379, %add3A_380 : i32
    %dma_start3A_382 = arith.constant 1 : i32
    %dma_start3A_383 = arith.constant 2 : i32
    %dma_start3A_384 = arith.constant 1 : i32
    %dma_start3A_385 = arith.constant 0 : i32
    %dma_start3A_386 = arith.constant 0 : i32
    %dma_start3A_387 = tpu.memref_slice %arg7[%dma_start3A_382, %dma_start3A_383, %dma_start3A_385, %dma_start3A_386] : memref<2x4x16x512xf32, #tpu.memory_space<vmem>> -> memref<1x1x16x512xf32, #tpu.memory_space<vmem>>
    %dma_start3A_388 = tpu.memref_squeeze %dma_start3A_387 : memref<1x1x16x512xf32, #tpu.memory_space<vmem>> -> memref<16x512xf32, #tpu.memory_space<vmem>>
    %dma_start3A_389 = arith.constant 0 : i32
    %dma_start3A_390 = tpu.memref_slice %arg4[%add3A_381, %select_n3A_331, %dma_start3A_389] : memref<8x512x512xf32, #tpu.memory_space<hbm>> -> memref<1x16x512xf32, #tpu.memory_space<hbm>>
    %dma_start3A_391 = tpu.memref_squeeze %dma_start3A_390 : memref<1x16x512xf32, #tpu.memory_space<hbm>> -> memref<16x512xf32, #tpu.memory_space<hbm>>
    %dma_start3A_392 = tpu.memref_slice %arg9[%dma_start3A_384] : memref<2x!tpu.dma_semaphore, #tpu.memory_space<semaphore_mem>> -> memref<1x!tpu.dma_semaphore, #tpu.memory_space<semaphore_mem>>
    %dma_start3A_393 = tpu.memref_squeeze %dma_start3A_392 : memref<1x!tpu.dma_semaphore, #tpu.memory_space<semaphore_mem>> -> memref<!tpu.dma_semaphore, #tpu.memory_space<semaphore_mem>>
    %dma_start3A_394 = arith.constant 0 : i32
    %dma_start3A_395 = tpu.memref_slice %arg4[%add3A_381, %select_n3A_331, %dma_start3A_394] : memref<8x512x512xf32, #tpu.memory_space<hbm>> -> memref<1x16x512xf32, #tpu.memory_space<hbm>>
    %dma_start3A_396 = tpu.memref_squeeze %dma_start3A_395 : memref<1x16x512xf32, #tpu.memory_space<hbm>> -> memref<16x512xf32, #tpu.memory_space<hbm>>
    %dma_start3A_397 = arith.constant 0 : i32
    %dma_start3A_398 = arith.constant 0 : i32
    %dma_start3A_399 = tpu.memref_slice %arg7[%dma_start3A_382, %dma_start3A_383, %dma_start3A_397, %dma_start3A_398] : memref<2x4x16x512xf32, #tpu.memory_space<vmem>> -> memref<1x1x16x512xf32, #tpu.memory_space<vmem>>
    %dma_start3A_400 = tpu.memref_squeeze %dma_start3A_399 : memref<1x1x16x512xf32, #tpu.memory_space<vmem>> -> memref<16x512xf32, #tpu.memory_space<vmem>>
    tpu.enqueue_dma source(%dma_start3A_400 : memref<16x512xf32, #tpu.memory_space<vmem>>) target(%dma_start3A_396 : memref<16x512xf32, #tpu.memory_space<hbm>>) target_semaphore(%dma_start3A_393 : memref<!tpu.dma_semaphore, #tpu.memory_space<semaphore_mem>>)
    %mul3A_401 = arith.constant 4 : i32
    %mul3A_402 = arith.muli %mul3A_401, %select_n3A_315 : i32
    %add3A_403 = arith.constant 3 : i32
    %add3A_404 = arith.addi %mul3A_402, %add3A_403 : i32
    %dma_start3A_405 = arith.constant 1 : i32
    %dma_start3A_406 = arith.constant 3 : i32
    %dma_start3A_407 = arith.constant 1 : i32
    %dma_start3A_408 = arith.constant 0 : i32
    %dma_start3A_409 = arith.constant 0 : i32
    %dma_start3A_410 = tpu.memref_slice %arg7[%dma_start3A_405, %dma_start3A_406, %dma_start3A_408, %dma_start3A_409] : memref<2x4x16x512xf32, #tpu.memory_space<vmem>> -> memref<1x1x16x512xf32, #tpu.memory_space<vmem>>
    %dma_start3A_411 = tpu.memref_squeeze %dma_start3A_410 : memref<1x1x16x512xf32, #tpu.memory_space<vmem>> -> memref<16x512xf32, #tpu.memory_space<vmem>>
    %dma_start3A_412 = arith.constant 0 : i32
    %dma_start3A_413 = tpu.memref_slice %arg4[%add3A_404, %select_n3A_331, %dma_start3A_412] : memref<8x512x512xf32, #tpu.memory_space<hbm>> -> memref<1x16x512xf32, #tpu.memory_space<hbm>>
    %dma_start3A_414 = tpu.memref_squeeze %dma_start3A_413 : memref<1x16x512xf32, #tpu.memory_space<hbm>> -> memref<16x512xf32, #tpu.memory_space<hbm>>
    %dma_start3A_415 = tpu.memref_slice %arg9[%dma_start3A_407] : memref<2x!tpu.dma_semaphore, #tpu.memory_space<semaphore_mem>> -> memref<1x!tpu.dma_semaphore, #tpu.memory_space<semaphore_mem>>
    %dma_start3A_416 = tpu.memref_squeeze %dma_start3A_415 : memref<1x!tpu.dma_semaphore, #tpu.memory_space<semaphore_mem>> -> memref<!tpu.dma_semaphore, #tpu.memory_space<semaphore_mem>>
    %dma_start3A_417 = arith.constant 0 : i32
    %dma_start3A_418 = tpu.memref_slice %arg4[%add3A_404, %select_n3A_331, %dma_start3A_417] : memref<8x512x512xf32, #tpu.memory_space<hbm>> -> memref<1x16x512xf32, #tpu.memory_space<hbm>>
    %dma_start3A_419 = tpu.memref_squeeze %dma_start3A_418 : memref<1x16x512xf32, #tpu.memory_space<hbm>> -> memref<16x512xf32, #tpu.memory_space<hbm>>
    %dma_start3A_420 = arith.constant 0 : i32
    %dma_start3A_421 = arith.constant 0 : i32
    %dma_start3A_422 = tpu.memref_slice %arg7[%dma_start3A_405, %dma_start3A_406, %dma_start3A_420, %dma_start3A_421] : memref<2x4x16x512xf32, #tpu.memory_space<vmem>> -> memref<1x1x16x512xf32, #tpu.memory_space<vmem>>
    %dma_start3A_423 = tpu.memref_squeeze %dma_start3A_422 : memref<1x1x16x512xf32, #tpu.memory_space<vmem>> -> memref<16x512xf32, #tpu.memory_space<vmem>>
    tpu.enqueue_dma source(%dma_start3A_423 : memref<16x512xf32, #tpu.memory_space<vmem>>) target(%dma_start3A_419 : memref<16x512xf32, #tpu.memory_space<hbm>>) target_semaphore(%dma_start3A_416 : memref<!tpu.dma_semaphore, #tpu.memory_space<semaphore_mem>>)
    %dma_wait3A_424 = arith.constant 0 : i32
    %dma_wait3A_425 = arith.constant 0 : i32
    %dma_wait3A_426 = arith.constant 0 : i32
    %dma_wait3A_427 = arith.constant 0 : i32
    %dma_wait3A_428 = arith.constant 0 : i32
    %dma_wait3A_429 = tpu.memref_slice %arg7[%dma_wait3A_424, %dma_wait3A_425, %dma_wait3A_427, %dma_wait3A_428] : memref<2x4x16x512xf32, #tpu.memory_space<vmem>> -> memref<1x1x16x512xf32, #tpu.memory_space<vmem>>
    %dma_wait3A_430 = tpu.memref_squeeze %dma_wait3A_429 : memref<1x1x16x512xf32, #tpu.memory_space<vmem>> -> memref<16x512xf32, #tpu.memory_space<vmem>>
    %dma_wait3A_431 = arith.constant 0 : i32
    %dma_wait3A_432 = tpu.memref_slice %arg4[%add3A_178, %select_n3A_174, %dma_wait3A_431] : memref<8x512x512xf32, #tpu.memory_space<hbm>> -> memref<1x16x512xf32, #tpu.memory_space<hbm>>
    %dma_wait3A_433 = tpu.memref_squeeze %dma_wait3A_432 : memref<1x16x512xf32, #tpu.memory_space<hbm>> -> memref<16x512xf32, #tpu.memory_space<hbm>>
    %dma_wait3A_434 = tpu.memref_slice %arg9[%dma_wait3A_426] : memref<2x!tpu.dma_semaphore, #tpu.memory_space<semaphore_mem>> -> memref<1x!tpu.dma_semaphore, #tpu.memory_space<semaphore_mem>>
    %dma_wait3A_435 = tpu.memref_squeeze %dma_wait3A_434 : memref<1x!tpu.dma_semaphore, #tpu.memory_space<semaphore_mem>> -> memref<!tpu.dma_semaphore, #tpu.memory_space<semaphore_mem>>
    %dma_wait3A_436 = arith.constant 0 : i32
    %dma_wait3A_437 = tpu.memref_slice %arg4[%add3A_178, %select_n3A_174, %dma_wait3A_436] : memref<8x512x512xf32, #tpu.memory_space<hbm>> -> memref<1x16x512xf32, #tpu.memory_space<hbm>>
    %dma_wait3A_438 = tpu.memref_squeeze %dma_wait3A_437 : memref<1x16x512xf32, #tpu.memory_space<hbm>> -> memref<16x512xf32, #tpu.memory_space<hbm>>
    %dma_wait3A_439 = arith.constant 0 : i32
    %dma_wait3A_440 = arith.constant 0 : i32
    %dma_wait3A_441 = tpu.memref_slice %arg7[%dma_wait3A_424, %dma_wait3A_425, %dma_wait3A_439, %dma_wait3A_440] : memref<2x4x16x512xf32, #tpu.memory_space<vmem>> -> memref<1x1x16x512xf32, #tpu.memory_space<vmem>>
    %dma_wait3A_442 = tpu.memref_squeeze %dma_wait3A_441 : memref<1x1x16x512xf32, #tpu.memory_space<vmem>> -> memref<16x512xf32, #tpu.memory_space<vmem>>
    tpu.wait_dma2 semaphore(%dma_wait3A_435 : memref<!tpu.dma_semaphore, #tpu.memory_space<semaphore_mem>>) src(%dma_wait3A_442 : memref<16x512xf32, #tpu.memory_space<vmem>>) dst(%dma_wait3A_438 : memref<16x512xf32, #tpu.memory_space<hbm>>)
    %dma_wait3A_443 = arith.constant 0 : i32
    %dma_wait3A_444 = arith.constant 1 : i32
    %dma_wait3A_445 = arith.constant 0 : i32
    %dma_wait3A_446 = arith.constant 0 : i32
    %dma_wait3A_447 = arith.constant 0 : i32
    %dma_wait3A_448 = tpu.memref_slice %arg7[%dma_wait3A_443, %dma_wait3A_444, %dma_wait3A_446, %dma_wait3A_447] : memref<2x4x16x512xf32, #tpu.memory_space<vmem>> -> memref<1x1x16x512xf32, #tpu.memory_space<vmem>>
    %dma_wait3A_449 = tpu.memref_squeeze %dma_wait3A_448 : memref<1x1x16x512xf32, #tpu.memory_space<vmem>> -> memref<16x512xf32, #tpu.memory_space<vmem>>
    %dma_wait3A_450 = arith.constant 0 : i32
    %dma_wait3A_451 = tpu.memref_slice %arg4[%add3A_201, %select_n3A_174, %dma_wait3A_450] : memref<8x512x512xf32, #tpu.memory_space<hbm>> -> memref<1x16x512xf32, #tpu.memory_space<hbm>>
    %dma_wait3A_452 = tpu.memref_squeeze %dma_wait3A_451 : memref<1x16x512xf32, #tpu.memory_space<hbm>> -> memref<16x512xf32, #tpu.memory_space<hbm>>
    %dma_wait3A_453 = tpu.memref_slice %arg9[%dma_wait3A_445] : memref<2x!tpu.dma_semaphore, #tpu.memory_space<semaphore_mem>> -> memref<1x!tpu.dma_semaphore, #tpu.memory_space<semaphore_mem>>
    %dma_wait3A_454 = tpu.memref_squeeze %dma_wait3A_453 : memref<1x!tpu.dma_semaphore, #tpu.memory_space<semaphore_mem>> -> memref<!tpu.dma_semaphore, #tpu.memory_space<semaphore_mem>>
    %dma_wait3A_455 = arith.constant 0 : i32
    %dma_wait3A_456 = tpu.memref_slice %arg4[%add3A_201, %select_n3A_174, %dma_wait3A_455] : memref<8x512x512xf32, #tpu.memory_space<hbm>> -> memref<1x16x512xf32, #tpu.memory_space<hbm>>
    %dma_wait3A_457 = tpu.memref_squeeze %dma_wait3A_456 : memref<1x16x512xf32, #tpu.memory_space<hbm>> -> memref<16x512xf32, #tpu.memory_space<hbm>>
    %dma_wait3A_458 = arith.constant 0 : i32
    %dma_wait3A_459 = arith.constant 0 : i32
    %dma_wait3A_460 = tpu.memref_slice %arg7[%dma_wait3A_443, %dma_wait3A_444, %dma_wait3A_458, %dma_wait3A_459] : memref<2x4x16x512xf32, #tpu.memory_space<vmem>> -> memref<1x1x16x512xf32, #tpu.memory_space<vmem>>
    %dma_wait3A_461 = tpu.memref_squeeze %dma_wait3A_460 : memref<1x1x16x512xf32, #tpu.memory_space<vmem>> -> memref<16x512xf32, #tpu.memory_space<vmem>>
    tpu.wait_dma2 semaphore(%dma_wait3A_454 : memref<!tpu.dma_semaphore, #tpu.memory_space<semaphore_mem>>) src(%dma_wait3A_461 : memref<16x512xf32, #tpu.memory_space<vmem>>) dst(%dma_wait3A_457 : memref<16x512xf32, #tpu.memory_space<hbm>>)
    %dma_wait3A_462 = arith.constant 0 : i32
    %dma_wait3A_463 = arith.constant 2 : i32
    %dma_wait3A_464 = arith.constant 0 : i32
    %dma_wait3A_465 = arith.constant 0 : i32
    %dma_wait3A_466 = arith.constant 0 : i32
    %dma_wait3A_467 = tpu.memref_slice %arg7[%dma_wait3A_462, %dma_wait3A_463, %dma_wait3A_465, %dma_wait3A_466] : memref<2x4x16x512xf32, #tpu.memory_space<vmem>> -> memref<1x1x16x512xf32, #tpu.memory_space<vmem>>
    %dma_wait3A_468 = tpu.memref_squeeze %dma_wait3A_467 : memref<1x1x16x512xf32, #tpu.memory_space<vmem>> -> memref<16x512xf32, #tpu.memory_space<vmem>>
    %dma_wait3A_469 = arith.constant 0 : i32
    %dma_wait3A_470 = tpu.memref_slice %arg4[%add3A_224, %select_n3A_174, %dma_wait3A_469] : memref<8x512x512xf32, #tpu.memory_space<hbm>> -> memref<1x16x512xf32, #tpu.memory_space<hbm>>
    %dma_wait3A_471 = tpu.memref_squeeze %dma_wait3A_470 : memref<1x16x512xf32, #tpu.memory_space<hbm>> -> memref<16x512xf32, #tpu.memory_space<hbm>>
    %dma_wait3A_472 = tpu.memref_slice %arg9[%dma_wait3A_464] : memref<2x!tpu.dma_semaphore, #tpu.memory_space<semaphore_mem>> -> memref<1x!tpu.dma_semaphore, #tpu.memory_space<semaphore_mem>>
    %dma_wait3A_473 = tpu.memref_squeeze %dma_wait3A_472 : memref<1x!tpu.dma_semaphore, #tpu.memory_space<semaphore_mem>> -> memref<!tpu.dma_semaphore, #tpu.memory_space<semaphore_mem>>
    %dma_wait3A_474 = arith.constant 0 : i32
    %dma_wait3A_475 = tpu.memref_slice %arg4[%add3A_224, %select_n3A_174, %dma_wait3A_474] : memref<8x512x512xf32, #tpu.memory_space<hbm>> -> memref<1x16x512xf32, #tpu.memory_space<hbm>>
    %dma_wait3A_476 = tpu.memref_squeeze %dma_wait3A_475 : memref<1x16x512xf32, #tpu.memory_space<hbm>> -> memref<16x512xf32, #tpu.memory_space<hbm>>
    %dma_wait3A_477 = arith.constant 0 : i32
    %dma_wait3A_478 = arith.constant 0 : i32
    %dma_wait3A_479 = tpu.memref_slice %arg7[%dma_wait3A_462, %dma_wait3A_463, %dma_wait3A_477, %dma_wait3A_478] : memref<2x4x16x512xf32, #tpu.memory_space<vmem>> -> memref<1x1x16x512xf32, #tpu.memory_space<vmem>>
    %dma_wait3A_480 = tpu.memref_squeeze %dma_wait3A_479 : memref<1x1x16x512xf32, #tpu.memory_space<vmem>> -> memref<16x512xf32, #tpu.memory_space<vmem>>
    tpu.wait_dma2 semaphore(%dma_wait3A_473 : memref<!tpu.dma_semaphore, #tpu.memory_space<semaphore_mem>>) src(%dma_wait3A_480 : memref<16x512xf32, #tpu.memory_space<vmem>>) dst(%dma_wait3A_476 : memref<16x512xf32, #tpu.memory_space<hbm>>)
    %dma_wait3A_481 = arith.constant 0 : i32
    %dma_wait3A_482 = arith.constant 3 : i32
    %dma_wait3A_483 = arith.constant 0 : i32
    %dma_wait3A_484 = arith.constant 0 : i32
    %dma_wait3A_485 = arith.constant 0 : i32
    %dma_wait3A_486 = tpu.memref_slice %arg7[%dma_wait3A_481, %dma_wait3A_482, %dma_wait3A_484, %dma_wait3A_485] : memref<2x4x16x512xf32, #tpu.memory_space<vmem>> -> memref<1x1x16x512xf32, #tpu.memory_space<vmem>>
    %dma_wait3A_487 = tpu.memref_squeeze %dma_wait3A_486 : memref<1x1x16x512xf32, #tpu.memory_space<vmem>> -> memref<16x512xf32, #tpu.memory_space<vmem>>
    %dma_wait3A_488 = arith.constant 0 : i32
    %dma_wait3A_489 = tpu.memref_slice %arg4[%add3A_247, %select_n3A_174, %dma_wait3A_488] : memref<8x512x512xf32, #tpu.memory_space<hbm>> -> memref<1x16x512xf32, #tpu.memory_space<hbm>>
    %dma_wait3A_490 = tpu.memref_squeeze %dma_wait3A_489 : memref<1x16x512xf32, #tpu.memory_space<hbm>> -> memref<16x512xf32, #tpu.memory_space<hbm>>
    %dma_wait3A_491 = tpu.memref_slice %arg9[%dma_wait3A_483] : memref<2x!tpu.dma_semaphore, #tpu.memory_space<semaphore_mem>> -> memref<1x!tpu.dma_semaphore, #tpu.memory_space<semaphore_mem>>
    %dma_wait3A_492 = tpu.memref_squeeze %dma_wait3A_491 : memref<1x!tpu.dma_semaphore, #tpu.memory_space<semaphore_mem>> -> memref<!tpu.dma_semaphore, #tpu.memory_space<semaphore_mem>>
    %dma_wait3A_493 = arith.constant 0 : i32
    %dma_wait3A_494 = tpu.memref_slice %arg4[%add3A_247, %select_n3A_174, %dma_wait3A_493] : memref<8x512x512xf32, #tpu.memory_space<hbm>> -> memref<1x16x512xf32, #tpu.memory_space<hbm>>
    %dma_wait3A_495 = tpu.memref_squeeze %dma_wait3A_494 : memref<1x16x512xf32, #tpu.memory_space<hbm>> -> memref<16x512xf32, #tpu.memory_space<hbm>>
    %dma_wait3A_496 = arith.constant 0 : i32
    %dma_wait3A_497 = arith.constant 0 : i32
    %dma_wait3A_498 = tpu.memref_slice %arg7[%dma_wait3A_481, %dma_wait3A_482, %dma_wait3A_496, %dma_wait3A_497] : memref<2x4x16x512xf32, #tpu.memory_space<vmem>> -> memref<1x1x16x512xf32, #tpu.memory_space<vmem>>
    %dma_wait3A_499 = tpu.memref_squeeze %dma_wait3A_498 : memref<1x1x16x512xf32, #tpu.memory_space<vmem>> -> memref<16x512xf32, #tpu.memory_space<vmem>>
    tpu.wait_dma2 semaphore(%dma_wait3A_492 : memref<!tpu.dma_semaphore, #tpu.memory_space<semaphore_mem>>) src(%dma_wait3A_499 : memref<16x512xf32, #tpu.memory_space<vmem>>) dst(%dma_wait3A_495 : memref<16x512xf32, #tpu.memory_space<hbm>>)
    %dma_wait3A_500 = arith.constant 1 : i32
    %dma_wait3A_501 = arith.constant 0 : i32
    %dma_wait3A_502 = arith.constant 1 : i32
    %dma_wait3A_503 = arith.constant 0 : i32
    %dma_wait3A_504 = arith.constant 0 : i32
    %dma_wait3A_505 = tpu.memref_slice %arg7[%dma_wait3A_500, %dma_wait3A_501, %dma_wait3A_503, %dma_wait3A_504] : memref<2x4x16x512xf32, #tpu.memory_space<vmem>> -> memref<1x1x16x512xf32, #tpu.memory_space<vmem>>
    %dma_wait3A_506 = tpu.memref_squeeze %dma_wait3A_505 : memref<1x1x16x512xf32, #tpu.memory_space<vmem>> -> memref<16x512xf32, #tpu.memory_space<vmem>>
    %dma_wait3A_507 = arith.constant 0 : i32
    %dma_wait3A_508 = tpu.memref_slice %arg4[%add3A_335, %select_n3A_331, %dma_wait3A_507] : memref<8x512x512xf32, #tpu.memory_space<hbm>> -> memref<1x16x512xf32, #tpu.memory_space<hbm>>
    %dma_wait3A_509 = tpu.memref_squeeze %dma_wait3A_508 : memref<1x16x512xf32, #tpu.memory_space<hbm>> -> memref<16x512xf32, #tpu.memory_space<hbm>>
    %dma_wait3A_510 = tpu.memref_slice %arg9[%dma_wait3A_502] : memref<2x!tpu.dma_semaphore, #tpu.memory_space<semaphore_mem>> -> memref<1x!tpu.dma_semaphore, #tpu.memory_space<semaphore_mem>>
    %dma_wait3A_511 = tpu.memref_squeeze %dma_wait3A_510 : memref<1x!tpu.dma_semaphore, #tpu.memory_space<semaphore_mem>> -> memref<!tpu.dma_semaphore, #tpu.memory_space<semaphore_mem>>
    %dma_wait3A_512 = arith.constant 0 : i32
    %dma_wait3A_513 = tpu.memref_slice %arg4[%add3A_335, %select_n3A_331, %dma_wait3A_512] : memref<8x512x512xf32, #tpu.memory_space<hbm>> -> memref<1x16x512xf32, #tpu.memory_space<hbm>>
    %dma_wait3A_514 = tpu.memref_squeeze %dma_wait3A_513 : memref<1x16x512xf32, #tpu.memory_space<hbm>> -> memref<16x512xf32, #tpu.memory_space<hbm>>
    %dma_wait3A_515 = arith.constant 0 : i32
    %dma_wait3A_516 = arith.constant 0 : i32
    %dma_wait3A_517 = tpu.memref_slice %arg7[%dma_wait3A_500, %dma_wait3A_501, %dma_wait3A_515, %dma_wait3A_516] : memref<2x4x16x512xf32, #tpu.memory_space<vmem>> -> memref<1x1x16x512xf32, #tpu.memory_space<vmem>>
    %dma_wait3A_518 = tpu.memref_squeeze %dma_wait3A_517 : memref<1x1x16x512xf32, #tpu.memory_space<vmem>> -> memref<16x512xf32, #tpu.memory_space<vmem>>
    tpu.wait_dma2 semaphore(%dma_wait3A_511 : memref<!tpu.dma_semaphore, #tpu.memory_space<semaphore_mem>>) src(%dma_wait3A_518 : memref<16x512xf32, #tpu.memory_space<vmem>>) dst(%dma_wait3A_514 : memref<16x512xf32, #tpu.memory_space<hbm>>)
    %dma_wait3A_519 = arith.constant 1 : i32
    %dma_wait3A_520 = arith.constant 1 : i32
    %dma_wait3A_521 = arith.constant 1 : i32
    %dma_wait3A_522 = arith.constant 0 : i32
    %dma_wait3A_523 = arith.constant 0 : i32
    %dma_wait3A_524 = tpu.memref_slice %arg7[%dma_wait3A_519, %dma_wait3A_520, %dma_wait3A_522, %dma_wait3A_523] : memref<2x4x16x512xf32, #tpu.memory_space<vmem>> -> memref<1x1x16x512xf32, #tpu.memory_space<vmem>>
    %dma_wait3A_525 = tpu.memref_squeeze %dma_wait3A_524 : memref<1x1x16x512xf32, #tpu.memory_space<vmem>> -> memref<16x512xf32, #tpu.memory_space<vmem>>
    %dma_wait3A_526 = arith.constant 0 : i32
    %dma_wait3A_527 = tpu.memref_slice %arg4[%add3A_358, %select_n3A_331, %dma_wait3A_526] : memref<8x512x512xf32, #tpu.memory_space<hbm>> -> memref<1x16x512xf32, #tpu.memory_space<hbm>>
    %dma_wait3A_528 = tpu.memref_squeeze %dma_wait3A_527 : memref<1x16x512xf32, #tpu.memory_space<hbm>> -> memref<16x512xf32, #tpu.memory_space<hbm>>
    %dma_wait3A_529 = tpu.memref_slice %arg9[%dma_wait3A_521] : memref<2x!tpu.dma_semaphore, #tpu.memory_space<semaphore_mem>> -> memref<1x!tpu.dma_semaphore, #tpu.memory_space<semaphore_mem>>
    %dma_wait3A_530 = tpu.memref_squeeze %dma_wait3A_529 : memref<1x!tpu.dma_semaphore, #tpu.memory_space<semaphore_mem>> -> memref<!tpu.dma_semaphore, #tpu.memory_space<semaphore_mem>>
    %dma_wait3A_531 = arith.constant 0 : i32
    %dma_wait3A_532 = tpu.memref_slice %arg4[%add3A_358, %select_n3A_331, %dma_wait3A_531] : memref<8x512x512xf32, #tpu.memory_space<hbm>> -> memref<1x16x512xf32, #tpu.memory_space<hbm>>
    %dma_wait3A_533 = tpu.memref_squeeze %dma_wait3A_532 : memref<1x16x512xf32, #tpu.memory_space<hbm>> -> memref<16x512xf32, #tpu.memory_space<hbm>>
    %dma_wait3A_534 = arith.constant 0 : i32
    %dma_wait3A_535 = arith.constant 0 : i32
    %dma_wait3A_536 = tpu.memref_slice %arg7[%dma_wait3A_519, %dma_wait3A_520, %dma_wait3A_534, %dma_wait3A_535] : memref<2x4x16x512xf32, #tpu.memory_space<vmem>> -> memref<1x1x16x512xf32, #tpu.memory_space<vmem>>
    %dma_wait3A_537 = tpu.memref_squeeze %dma_wait3A_536 : memref<1x1x16x512xf32, #tpu.memory_space<vmem>> -> memref<16x512xf32, #tpu.memory_space<vmem>>
    tpu.wait_dma2 semaphore(%dma_wait3A_530 : memref<!tpu.dma_semaphore, #tpu.memory_space<semaphore_mem>>) src(%dma_wait3A_537 : memref<16x512xf32, #tpu.memory_space<vmem>>) dst(%dma_wait3A_533 : memref<16x512xf32, #tpu.memory_space<hbm>>)
    %dma_wait3A_538 = arith.constant 1 : i32
    %dma_wait3A_539 = arith.constant 2 : i32
    %dma_wait3A_540 = arith.constant 1 : i32
    %dma_wait3A_541 = arith.constant 0 : i32
    %dma_wait3A_542 = arith.constant 0 : i32
    %dma_wait3A_543 = tpu.memref_slice %arg7[%dma_wait3A_538, %dma_wait3A_539, %dma_wait3A_541, %dma_wait3A_542] : memref<2x4x16x512xf32, #tpu.memory_space<vmem>> -> memref<1x1x16x512xf32, #tpu.memory_space<vmem>>
    %dma_wait3A_544 = tpu.memref_squeeze %dma_wait3A_543 : memref<1x1x16x512xf32, #tpu.memory_space<vmem>> -> memref<16x512xf32, #tpu.memory_space<vmem>>
    %dma_wait3A_545 = arith.constant 0 : i32
    %dma_wait3A_546 = tpu.memref_slice %arg4[%add3A_381, %select_n3A_331, %dma_wait3A_545] : memref<8x512x512xf32, #tpu.memory_space<hbm>> -> memref<1x16x512xf32, #tpu.memory_space<hbm>>
    %dma_wait3A_547 = tpu.memref_squeeze %dma_wait3A_546 : memref<1x16x512xf32, #tpu.memory_space<hbm>> -> memref<16x512xf32, #tpu.memory_space<hbm>>
    %dma_wait3A_548 = tpu.memref_slice %arg9[%dma_wait3A_540] : memref<2x!tpu.dma_semaphore, #tpu.memory_space<semaphore_mem>> -> memref<1x!tpu.dma_semaphore, #tpu.memory_space<semaphore_mem>>
    %dma_wait3A_549 = tpu.memref_squeeze %dma_wait3A_548 : memref<1x!tpu.dma_semaphore, #tpu.memory_space<semaphore_mem>> -> memref<!tpu.dma_semaphore, #tpu.memory_space<semaphore_mem>>
    %dma_wait3A_550 = arith.constant 0 : i32
    %dma_wait3A_551 = tpu.memref_slice %arg4[%add3A_381, %select_n3A_331, %dma_wait3A_550] : memref<8x512x512xf32, #tpu.memory_space<hbm>> -> memref<1x16x512xf32, #tpu.memory_space<hbm>>
    %dma_wait3A_552 = tpu.memref_squeeze %dma_wait3A_551 : memref<1x16x512xf32, #tpu.memory_space<hbm>> -> memref<16x512xf32, #tpu.memory_space<hbm>>
    %dma_wait3A_553 = arith.constant 0 : i32
    %dma_wait3A_554 = arith.constant 0 : i32
    %dma_wait3A_555 = tpu.memref_slice %arg7[%dma_wait3A_538, %dma_wait3A_539, %dma_wait3A_553, %dma_wait3A_554] : memref<2x4x16x512xf32, #tpu.memory_space<vmem>> -> memref<1x1x16x512xf32, #tpu.memory_space<vmem>>
    %dma_wait3A_556 = tpu.memref_squeeze %dma_wait3A_555 : memref<1x1x16x512xf32, #tpu.memory_space<vmem>> -> memref<16x512xf32, #tpu.memory_space<vmem>>
    tpu.wait_dma2 semaphore(%dma_wait3A_549 : memref<!tpu.dma_semaphore, #tpu.memory_space<semaphore_mem>>) src(%dma_wait3A_556 : memref<16x512xf32, #tpu.memory_space<vmem>>) dst(%dma_wait3A_552 : memref<16x512xf32, #tpu.memory_space<hbm>>)
    %dma_wait3A_557 = arith.constant 1 : i32
    %dma_wait3A_558 = arith.constant 3 : i32
    %dma_wait3A_559 = arith.constant 1 : i32
    %dma_wait3A_560 = arith.constant 0 : i32
    %dma_wait3A_561 = arith.constant 0 : i32
    %dma_wait3A_562 = tpu.memref_slice %arg7[%dma_wait3A_557, %dma_wait3A_558, %dma_wait3A_560, %dma_wait3A_561] : memref<2x4x16x512xf32, #tpu.memory_space<vmem>> -> memref<1x1x16x512xf32, #tpu.memory_space<vmem>>
    %dma_wait3A_563 = tpu.memref_squeeze %dma_wait3A_562 : memref<1x1x16x512xf32, #tpu.memory_space<vmem>> -> memref<16x512xf32, #tpu.memory_space<vmem>>
    %dma_wait3A_564 = arith.constant 0 : i32
    %dma_wait3A_565 = tpu.memref_slice %arg4[%add3A_404, %select_n3A_331, %dma_wait3A_564] : memref<8x512x512xf32, #tpu.memory_space<hbm>> -> memref<1x16x512xf32, #tpu.memory_space<hbm>>
    %dma_wait3A_566 = tpu.memref_squeeze %dma_wait3A_565 : memref<1x16x512xf32, #tpu.memory_space<hbm>> -> memref<16x512xf32, #tpu.memory_space<hbm>>
    %dma_wait3A_567 = tpu.memref_slice %arg9[%dma_wait3A_559] : memref<2x!tpu.dma_semaphore, #tpu.memory_space<semaphore_mem>> -> memref<1x!tpu.dma_semaphore, #tpu.memory_space<semaphore_mem>>
    %dma_wait3A_568 = tpu.memref_squeeze %dma_wait3A_567 : memref<1x!tpu.dma_semaphore, #tpu.memory_space<semaphore_mem>> -> memref<!tpu.dma_semaphore, #tpu.memory_space<semaphore_mem>>
    %dma_wait3A_569 = arith.constant 0 : i32
    %dma_wait3A_570 = tpu.memref_slice %arg4[%add3A_404, %select_n3A_331, %dma_wait3A_569] : memref<8x512x512xf32, #tpu.memory_space<hbm>> -> memref<1x16x512xf32, #tpu.memory_space<hbm>>
    %dma_wait3A_571 = tpu.memref_squeeze %dma_wait3A_570 : memref<1x16x512xf32, #tpu.memory_space<hbm>> -> memref<16x512xf32, #tpu.memory_space<hbm>>
    %dma_wait3A_572 = arith.constant 0 : i32
    %dma_wait3A_573 = arith.constant 0 : i32
    %dma_wait3A_574 = tpu.memref_slice %arg7[%dma_wait3A_557, %dma_wait3A_558, %dma_wait3A_572, %dma_wait3A_573] : memref<2x4x16x512xf32, #tpu.memory_space<vmem>> -> memref<1x1x16x512xf32, #tpu.memory_space<vmem>>
    %dma_wait3A_575 = tpu.memref_squeeze %dma_wait3A_574 : memref<1x1x16x512xf32, #tpu.memory_space<vmem>> -> memref<16x512xf32, #tpu.memory_space<vmem>>
    tpu.wait_dma2 semaphore(%dma_wait3A_568 : memref<!tpu.dma_semaphore, #tpu.memory_space<semaphore_mem>>) src(%dma_wait3A_575 : memref<16x512xf32, #tpu.memory_space<vmem>>) dst(%dma_wait3A_571 : memref<16x512xf32, #tpu.memory_space<hbm>>)
    return
  }
}

module attributes {stable_mosaic.version = 14 : i64} {
  func.func @_argmax_pack_body(%arg0: i32, %arg1: i32, %arg2: memref<4x19x64x512xf32, #tpu.memory_space<vmem>>, %arg3: memref<1x64x512xi32, #tpu.memory_space<vmem>>) attributes {dimension_semantics = [#tpu.dimension_semantics<arbitrary>, #tpu.dimension_semantics<arbitrary>], iteration_bounds = array<i64: 2, 8>, scalar_prefetch = 0 : i64, scratch_operands = 0 : i64, tpu.core_type = #tpu.core_type<tc>, window_params = [{transform_indices = @transform_0, window_bounds = array<i64: 4, 19, 64, 512>}, {transform_indices = @transform_1, window_bounds = array<i64: 1, 64, 512>}]} {
    %get3A = arith.constant 0 : index
    %get3A_0 = arith.constant 0 : index
    %get3A_1 = arith.constant 0 : index
    %get3A_2 = arith.constant 0 : index
    %get3A_3 = vector.load %arg2[%get3A, %get3A_0, %get3A_1, %get3A_2] : memref<4x19x64x512xf32, #tpu.memory_space<vmem>>, vector<4x19x64x512xf32>
    %slice3A = vector.extract_strided_slice %get3A_3 {offsets = [0, 0, 0, 0], sizes = [1, 1, 64, 512], strides = [1, 1, 1, 1]} : vector<4x19x64x512xf32> to vector<1x1x64x512xf32>
    %squeeze3A = vector.shape_cast %slice3A : vector<1x1x64x512xf32> to vector<64x512xf32>
    %broadcast_in_dim3A = arith.constant 0 : i32
    %broadcast_in_dim3A_4 = vector.broadcast %broadcast_in_dim3A : i32 to vector<64x512xi32>
    %slice3A_5 = vector.extract_strided_slice %get3A_3 {offsets = [0, 1, 0, 0], sizes = [1, 1, 64, 512], strides = [1, 1, 1, 1]} : vector<4x19x64x512xf32> to vector<1x1x64x512xf32>
    %squeeze3A_6 = vector.shape_cast %slice3A_5 : vector<1x1x64x512xf32> to vector<64x512xf32>
    %gt3A = arith.cmpf ogt, %squeeze3A_6, %squeeze3A : vector<64x512xf32>
    %select_n3A = arith.select %gt3A, %squeeze3A_6, %squeeze3A : vector<64x512xi1>, vector<64x512xf32>
    %jit3A = arith.constant 1 : i32
    %broadcast_in_dim3A_7 = vector.broadcast %jit3A : i32 to vector<64x512xi32>
    %select_n3A_8 = arith.select %gt3A, %broadcast_in_dim3A_7, %broadcast_in_dim3A_4 : vector<64x512xi1>, vector<64x512xi32>
    %slice3A_9 = vector.extract_strided_slice %get3A_3 {offsets = [0, 2, 0, 0], sizes = [1, 1, 64, 512], strides = [1, 1, 1, 1]} : vector<4x19x64x512xf32> to vector<1x1x64x512xf32>
    %squeeze3A_10 = vector.shape_cast %slice3A_9 : vector<1x1x64x512xf32> to vector<64x512xf32>
    %gt3A_11 = arith.cmpf ogt, %squeeze3A_10, %select_n3A : vector<64x512xf32>
    %select_n3A_12 = arith.select %gt3A_11, %squeeze3A_10, %select_n3A : vector<64x512xi1>, vector<64x512xf32>
    %jit3A_13 = arith.constant 2 : i32
    %broadcast_in_dim3A_14 = vector.broadcast %jit3A_13 : i32 to vector<64x512xi32>
    %select_n3A_15 = arith.select %gt3A_11, %broadcast_in_dim3A_14, %select_n3A_8 : vector<64x512xi1>, vector<64x512xi32>
    %slice3A_16 = vector.extract_strided_slice %get3A_3 {offsets = [0, 3, 0, 0], sizes = [1, 1, 64, 512], strides = [1, 1, 1, 1]} : vector<4x19x64x512xf32> to vector<1x1x64x512xf32>
    %squeeze3A_17 = vector.shape_cast %slice3A_16 : vector<1x1x64x512xf32> to vector<64x512xf32>
    %gt3A_18 = arith.cmpf ogt, %squeeze3A_17, %select_n3A_12 : vector<64x512xf32>
    %select_n3A_19 = arith.select %gt3A_18, %squeeze3A_17, %select_n3A_12 : vector<64x512xi1>, vector<64x512xf32>
    %jit3A_20 = arith.constant 3 : i32
    %broadcast_in_dim3A_21 = vector.broadcast %jit3A_20 : i32 to vector<64x512xi32>
    %select_n3A_22 = arith.select %gt3A_18, %broadcast_in_dim3A_21, %select_n3A_15 : vector<64x512xi1>, vector<64x512xi32>
    %slice3A_23 = vector.extract_strided_slice %get3A_3 {offsets = [0, 4, 0, 0], sizes = [1, 1, 64, 512], strides = [1, 1, 1, 1]} : vector<4x19x64x512xf32> to vector<1x1x64x512xf32>
    %squeeze3A_24 = vector.shape_cast %slice3A_23 : vector<1x1x64x512xf32> to vector<64x512xf32>
    %gt3A_25 = arith.cmpf ogt, %squeeze3A_24, %select_n3A_19 : vector<64x512xf32>
    %select_n3A_26 = arith.select %gt3A_25, %squeeze3A_24, %select_n3A_19 : vector<64x512xi1>, vector<64x512xf32>
    %jit3A_27 = arith.constant 4 : i32
    %broadcast_in_dim3A_28 = vector.broadcast %jit3A_27 : i32 to vector<64x512xi32>
    %select_n3A_29 = arith.select %gt3A_25, %broadcast_in_dim3A_28, %select_n3A_22 : vector<64x512xi1>, vector<64x512xi32>
    %slice3A_30 = vector.extract_strided_slice %get3A_3 {offsets = [0, 5, 0, 0], sizes = [1, 1, 64, 512], strides = [1, 1, 1, 1]} : vector<4x19x64x512xf32> to vector<1x1x64x512xf32>
    %squeeze3A_31 = vector.shape_cast %slice3A_30 : vector<1x1x64x512xf32> to vector<64x512xf32>
    %gt3A_32 = arith.cmpf ogt, %squeeze3A_31, %select_n3A_26 : vector<64x512xf32>
    %select_n3A_33 = arith.select %gt3A_32, %squeeze3A_31, %select_n3A_26 : vector<64x512xi1>, vector<64x512xf32>
    %jit3A_34 = arith.constant 5 : i32
    %broadcast_in_dim3A_35 = vector.broadcast %jit3A_34 : i32 to vector<64x512xi32>
    %select_n3A_36 = arith.select %gt3A_32, %broadcast_in_dim3A_35, %select_n3A_29 : vector<64x512xi1>, vector<64x512xi32>
    %slice3A_37 = vector.extract_strided_slice %get3A_3 {offsets = [0, 6, 0, 0], sizes = [1, 1, 64, 512], strides = [1, 1, 1, 1]} : vector<4x19x64x512xf32> to vector<1x1x64x512xf32>
    %squeeze3A_38 = vector.shape_cast %slice3A_37 : vector<1x1x64x512xf32> to vector<64x512xf32>
    %gt3A_39 = arith.cmpf ogt, %squeeze3A_38, %select_n3A_33 : vector<64x512xf32>
    %select_n3A_40 = arith.select %gt3A_39, %squeeze3A_38, %select_n3A_33 : vector<64x512xi1>, vector<64x512xf32>
    %jit3A_41 = arith.constant 6 : i32
    %broadcast_in_dim3A_42 = vector.broadcast %jit3A_41 : i32 to vector<64x512xi32>
    %select_n3A_43 = arith.select %gt3A_39, %broadcast_in_dim3A_42, %select_n3A_36 : vector<64x512xi1>, vector<64x512xi32>
    %slice3A_44 = vector.extract_strided_slice %get3A_3 {offsets = [0, 7, 0, 0], sizes = [1, 1, 64, 512], strides = [1, 1, 1, 1]} : vector<4x19x64x512xf32> to vector<1x1x64x512xf32>
    %squeeze3A_45 = vector.shape_cast %slice3A_44 : vector<1x1x64x512xf32> to vector<64x512xf32>
    %gt3A_46 = arith.cmpf ogt, %squeeze3A_45, %select_n3A_40 : vector<64x512xf32>
    %select_n3A_47 = arith.select %gt3A_46, %squeeze3A_45, %select_n3A_40 : vector<64x512xi1>, vector<64x512xf32>
    %jit3A_48 = arith.constant 7 : i32
    %broadcast_in_dim3A_49 = vector.broadcast %jit3A_48 : i32 to vector<64x512xi32>
    %select_n3A_50 = arith.select %gt3A_46, %broadcast_in_dim3A_49, %select_n3A_43 : vector<64x512xi1>, vector<64x512xi32>
    %slice3A_51 = vector.extract_strided_slice %get3A_3 {offsets = [0, 8, 0, 0], sizes = [1, 1, 64, 512], strides = [1, 1, 1, 1]} : vector<4x19x64x512xf32> to vector<1x1x64x512xf32>
    %squeeze3A_52 = vector.shape_cast %slice3A_51 : vector<1x1x64x512xf32> to vector<64x512xf32>
    %gt3A_53 = arith.cmpf ogt, %squeeze3A_52, %select_n3A_47 : vector<64x512xf32>
    %select_n3A_54 = arith.select %gt3A_53, %squeeze3A_52, %select_n3A_47 : vector<64x512xi1>, vector<64x512xf32>
    %jit3A_55 = arith.constant 8 : i32
    %broadcast_in_dim3A_56 = vector.broadcast %jit3A_55 : i32 to vector<64x512xi32>
    %select_n3A_57 = arith.select %gt3A_53, %broadcast_in_dim3A_56, %select_n3A_50 : vector<64x512xi1>, vector<64x512xi32>
    %slice3A_58 = vector.extract_strided_slice %get3A_3 {offsets = [0, 9, 0, 0], sizes = [1, 1, 64, 512], strides = [1, 1, 1, 1]} : vector<4x19x64x512xf32> to vector<1x1x64x512xf32>
    %squeeze3A_59 = vector.shape_cast %slice3A_58 : vector<1x1x64x512xf32> to vector<64x512xf32>
    %gt3A_60 = arith.cmpf ogt, %squeeze3A_59, %select_n3A_54 : vector<64x512xf32>
    %select_n3A_61 = arith.select %gt3A_60, %squeeze3A_59, %select_n3A_54 : vector<64x512xi1>, vector<64x512xf32>
    %jit3A_62 = arith.constant 9 : i32
    %broadcast_in_dim3A_63 = vector.broadcast %jit3A_62 : i32 to vector<64x512xi32>
    %select_n3A_64 = arith.select %gt3A_60, %broadcast_in_dim3A_63, %select_n3A_57 : vector<64x512xi1>, vector<64x512xi32>
    %slice3A_65 = vector.extract_strided_slice %get3A_3 {offsets = [0, 10, 0, 0], sizes = [1, 1, 64, 512], strides = [1, 1, 1, 1]} : vector<4x19x64x512xf32> to vector<1x1x64x512xf32>
    %squeeze3A_66 = vector.shape_cast %slice3A_65 : vector<1x1x64x512xf32> to vector<64x512xf32>
    %gt3A_67 = arith.cmpf ogt, %squeeze3A_66, %select_n3A_61 : vector<64x512xf32>
    %select_n3A_68 = arith.select %gt3A_67, %squeeze3A_66, %select_n3A_61 : vector<64x512xi1>, vector<64x512xf32>
    %jit3A_69 = arith.constant 10 : i32
    %broadcast_in_dim3A_70 = vector.broadcast %jit3A_69 : i32 to vector<64x512xi32>
    %select_n3A_71 = arith.select %gt3A_67, %broadcast_in_dim3A_70, %select_n3A_64 : vector<64x512xi1>, vector<64x512xi32>
    %slice3A_72 = vector.extract_strided_slice %get3A_3 {offsets = [0, 11, 0, 0], sizes = [1, 1, 64, 512], strides = [1, 1, 1, 1]} : vector<4x19x64x512xf32> to vector<1x1x64x512xf32>
    %squeeze3A_73 = vector.shape_cast %slice3A_72 : vector<1x1x64x512xf32> to vector<64x512xf32>
    %gt3A_74 = arith.cmpf ogt, %squeeze3A_73, %select_n3A_68 : vector<64x512xf32>
    %select_n3A_75 = arith.select %gt3A_74, %squeeze3A_73, %select_n3A_68 : vector<64x512xi1>, vector<64x512xf32>
    %jit3A_76 = arith.constant 11 : i32
    %broadcast_in_dim3A_77 = vector.broadcast %jit3A_76 : i32 to vector<64x512xi32>
    %select_n3A_78 = arith.select %gt3A_74, %broadcast_in_dim3A_77, %select_n3A_71 : vector<64x512xi1>, vector<64x512xi32>
    %slice3A_79 = vector.extract_strided_slice %get3A_3 {offsets = [0, 12, 0, 0], sizes = [1, 1, 64, 512], strides = [1, 1, 1, 1]} : vector<4x19x64x512xf32> to vector<1x1x64x512xf32>
    %squeeze3A_80 = vector.shape_cast %slice3A_79 : vector<1x1x64x512xf32> to vector<64x512xf32>
    %gt3A_81 = arith.cmpf ogt, %squeeze3A_80, %select_n3A_75 : vector<64x512xf32>
    %select_n3A_82 = arith.select %gt3A_81, %squeeze3A_80, %select_n3A_75 : vector<64x512xi1>, vector<64x512xf32>
    %jit3A_83 = arith.constant 12 : i32
    %broadcast_in_dim3A_84 = vector.broadcast %jit3A_83 : i32 to vector<64x512xi32>
    %select_n3A_85 = arith.select %gt3A_81, %broadcast_in_dim3A_84, %select_n3A_78 : vector<64x512xi1>, vector<64x512xi32>
    %slice3A_86 = vector.extract_strided_slice %get3A_3 {offsets = [0, 13, 0, 0], sizes = [1, 1, 64, 512], strides = [1, 1, 1, 1]} : vector<4x19x64x512xf32> to vector<1x1x64x512xf32>
    %squeeze3A_87 = vector.shape_cast %slice3A_86 : vector<1x1x64x512xf32> to vector<64x512xf32>
    %gt3A_88 = arith.cmpf ogt, %squeeze3A_87, %select_n3A_82 : vector<64x512xf32>
    %select_n3A_89 = arith.select %gt3A_88, %squeeze3A_87, %select_n3A_82 : vector<64x512xi1>, vector<64x512xf32>
    %jit3A_90 = arith.constant 13 : i32
    %broadcast_in_dim3A_91 = vector.broadcast %jit3A_90 : i32 to vector<64x512xi32>
    %select_n3A_92 = arith.select %gt3A_88, %broadcast_in_dim3A_91, %select_n3A_85 : vector<64x512xi1>, vector<64x512xi32>
    %slice3A_93 = vector.extract_strided_slice %get3A_3 {offsets = [0, 14, 0, 0], sizes = [1, 1, 64, 512], strides = [1, 1, 1, 1]} : vector<4x19x64x512xf32> to vector<1x1x64x512xf32>
    %squeeze3A_94 = vector.shape_cast %slice3A_93 : vector<1x1x64x512xf32> to vector<64x512xf32>
    %gt3A_95 = arith.cmpf ogt, %squeeze3A_94, %select_n3A_89 : vector<64x512xf32>
    %select_n3A_96 = arith.select %gt3A_95, %squeeze3A_94, %select_n3A_89 : vector<64x512xi1>, vector<64x512xf32>
    %jit3A_97 = arith.constant 14 : i32
    %broadcast_in_dim3A_98 = vector.broadcast %jit3A_97 : i32 to vector<64x512xi32>
    %select_n3A_99 = arith.select %gt3A_95, %broadcast_in_dim3A_98, %select_n3A_92 : vector<64x512xi1>, vector<64x512xi32>
    %slice3A_100 = vector.extract_strided_slice %get3A_3 {offsets = [0, 15, 0, 0], sizes = [1, 1, 64, 512], strides = [1, 1, 1, 1]} : vector<4x19x64x512xf32> to vector<1x1x64x512xf32>
    %squeeze3A_101 = vector.shape_cast %slice3A_100 : vector<1x1x64x512xf32> to vector<64x512xf32>
    %gt3A_102 = arith.cmpf ogt, %squeeze3A_101, %select_n3A_96 : vector<64x512xf32>
    %select_n3A_103 = arith.select %gt3A_102, %squeeze3A_101, %select_n3A_96 : vector<64x512xi1>, vector<64x512xf32>
    %jit3A_104 = arith.constant 15 : i32
    %broadcast_in_dim3A_105 = vector.broadcast %jit3A_104 : i32 to vector<64x512xi32>
    %select_n3A_106 = arith.select %gt3A_102, %broadcast_in_dim3A_105, %select_n3A_99 : vector<64x512xi1>, vector<64x512xi32>
    %slice3A_107 = vector.extract_strided_slice %get3A_3 {offsets = [0, 16, 0, 0], sizes = [1, 1, 64, 512], strides = [1, 1, 1, 1]} : vector<4x19x64x512xf32> to vector<1x1x64x512xf32>
    %squeeze3A_108 = vector.shape_cast %slice3A_107 : vector<1x1x64x512xf32> to vector<64x512xf32>
    %gt3A_109 = arith.cmpf ogt, %squeeze3A_108, %select_n3A_103 : vector<64x512xf32>
    %select_n3A_110 = arith.select %gt3A_109, %squeeze3A_108, %select_n3A_103 : vector<64x512xi1>, vector<64x512xf32>
    %jit3A_111 = arith.constant 16 : i32
    %broadcast_in_dim3A_112 = vector.broadcast %jit3A_111 : i32 to vector<64x512xi32>
    %select_n3A_113 = arith.select %gt3A_109, %broadcast_in_dim3A_112, %select_n3A_106 : vector<64x512xi1>, vector<64x512xi32>
    %slice3A_114 = vector.extract_strided_slice %get3A_3 {offsets = [0, 17, 0, 0], sizes = [1, 1, 64, 512], strides = [1, 1, 1, 1]} : vector<4x19x64x512xf32> to vector<1x1x64x512xf32>
    %squeeze3A_115 = vector.shape_cast %slice3A_114 : vector<1x1x64x512xf32> to vector<64x512xf32>
    %gt3A_116 = arith.cmpf ogt, %squeeze3A_115, %select_n3A_110 : vector<64x512xf32>
    %select_n3A_117 = arith.select %gt3A_116, %squeeze3A_115, %select_n3A_110 : vector<64x512xi1>, vector<64x512xf32>
    %jit3A_118 = arith.constant 17 : i32
    %broadcast_in_dim3A_119 = vector.broadcast %jit3A_118 : i32 to vector<64x512xi32>
    %select_n3A_120 = arith.select %gt3A_116, %broadcast_in_dim3A_119, %select_n3A_113 : vector<64x512xi1>, vector<64x512xi32>
    %slice3A_121 = vector.extract_strided_slice %get3A_3 {offsets = [0, 18, 0, 0], sizes = [1, 1, 64, 512], strides = [1, 1, 1, 1]} : vector<4x19x64x512xf32> to vector<1x1x64x512xf32>
    %squeeze3A_122 = vector.shape_cast %slice3A_121 : vector<1x1x64x512xf32> to vector<64x512xf32>
    %gt3A_123 = arith.cmpf ogt, %squeeze3A_122, %select_n3A_117 : vector<64x512xf32>
    %jit3A_124 = arith.constant 18 : i32
    %broadcast_in_dim3A_125 = vector.broadcast %jit3A_124 : i32 to vector<64x512xi32>
    %select_n3A_126 = arith.select %gt3A_123, %broadcast_in_dim3A_125, %select_n3A_120 : vector<64x512xi1>, vector<64x512xi32>
    %slice3A_127 = vector.extract_strided_slice %get3A_3 {offsets = [1, 0, 0, 0], sizes = [1, 1, 64, 512], strides = [1, 1, 1, 1]} : vector<4x19x64x512xf32> to vector<1x1x64x512xf32>
    %squeeze3A_128 = vector.shape_cast %slice3A_127 : vector<1x1x64x512xf32> to vector<64x512xf32>
    %broadcast_in_dim3A_129 = arith.constant 0 : i32
    %broadcast_in_dim3A_130 = vector.broadcast %broadcast_in_dim3A_129 : i32 to vector<64x512xi32>
    %slice3A_131 = vector.extract_strided_slice %get3A_3 {offsets = [1, 1, 0, 0], sizes = [1, 1, 64, 512], strides = [1, 1, 1, 1]} : vector<4x19x64x512xf32> to vector<1x1x64x512xf32>
    %squeeze3A_132 = vector.shape_cast %slice3A_131 : vector<1x1x64x512xf32> to vector<64x512xf32>
    %gt3A_133 = arith.cmpf ogt, %squeeze3A_132, %squeeze3A_128 : vector<64x512xf32>
    %select_n3A_134 = arith.select %gt3A_133, %squeeze3A_132, %squeeze3A_128 : vector<64x512xi1>, vector<64x512xf32>
    %jit3A_135 = arith.constant 1 : i32
    %broadcast_in_dim3A_136 = vector.broadcast %jit3A_135 : i32 to vector<64x512xi32>
    %select_n3A_137 = arith.select %gt3A_133, %broadcast_in_dim3A_136, %broadcast_in_dim3A_130 : vector<64x512xi1>, vector<64x512xi32>
    %slice3A_138 = vector.extract_strided_slice %get3A_3 {offsets = [1, 2, 0, 0], sizes = [1, 1, 64, 512], strides = [1, 1, 1, 1]} : vector<4x19x64x512xf32> to vector<1x1x64x512xf32>
    %squeeze3A_139 = vector.shape_cast %slice3A_138 : vector<1x1x64x512xf32> to vector<64x512xf32>
    %gt3A_140 = arith.cmpf ogt, %squeeze3A_139, %select_n3A_134 : vector<64x512xf32>
    %select_n3A_141 = arith.select %gt3A_140, %squeeze3A_139, %select_n3A_134 : vector<64x512xi1>, vector<64x512xf32>
    %jit3A_142 = arith.constant 2 : i32
    %broadcast_in_dim3A_143 = vector.broadcast %jit3A_142 : i32 to vector<64x512xi32>
    %select_n3A_144 = arith.select %gt3A_140, %broadcast_in_dim3A_143, %select_n3A_137 : vector<64x512xi1>, vector<64x512xi32>
    %slice3A_145 = vector.extract_strided_slice %get3A_3 {offsets = [1, 3, 0, 0], sizes = [1, 1, 64, 512], strides = [1, 1, 1, 1]} : vector<4x19x64x512xf32> to vector<1x1x64x512xf32>
    %squeeze3A_146 = vector.shape_cast %slice3A_145 : vector<1x1x64x512xf32> to vector<64x512xf32>
    %gt3A_147 = arith.cmpf ogt, %squeeze3A_146, %select_n3A_141 : vector<64x512xf32>
    %select_n3A_148 = arith.select %gt3A_147, %squeeze3A_146, %select_n3A_141 : vector<64x512xi1>, vector<64x512xf32>
    %jit3A_149 = arith.constant 3 : i32
    %broadcast_in_dim3A_150 = vector.broadcast %jit3A_149 : i32 to vector<64x512xi32>
    %select_n3A_151 = arith.select %gt3A_147, %broadcast_in_dim3A_150, %select_n3A_144 : vector<64x512xi1>, vector<64x512xi32>
    %slice3A_152 = vector.extract_strided_slice %get3A_3 {offsets = [1, 4, 0, 0], sizes = [1, 1, 64, 512], strides = [1, 1, 1, 1]} : vector<4x19x64x512xf32> to vector<1x1x64x512xf32>
    %squeeze3A_153 = vector.shape_cast %slice3A_152 : vector<1x1x64x512xf32> to vector<64x512xf32>
    %gt3A_154 = arith.cmpf ogt, %squeeze3A_153, %select_n3A_148 : vector<64x512xf32>
    %select_n3A_155 = arith.select %gt3A_154, %squeeze3A_153, %select_n3A_148 : vector<64x512xi1>, vector<64x512xf32>
    %jit3A_156 = arith.constant 4 : i32
    %broadcast_in_dim3A_157 = vector.broadcast %jit3A_156 : i32 to vector<64x512xi32>
    %select_n3A_158 = arith.select %gt3A_154, %broadcast_in_dim3A_157, %select_n3A_151 : vector<64x512xi1>, vector<64x512xi32>
    %slice3A_159 = vector.extract_strided_slice %get3A_3 {offsets = [1, 5, 0, 0], sizes = [1, 1, 64, 512], strides = [1, 1, 1, 1]} : vector<4x19x64x512xf32> to vector<1x1x64x512xf32>
    %squeeze3A_160 = vector.shape_cast %slice3A_159 : vector<1x1x64x512xf32> to vector<64x512xf32>
    %gt3A_161 = arith.cmpf ogt, %squeeze3A_160, %select_n3A_155 : vector<64x512xf32>
    %select_n3A_162 = arith.select %gt3A_161, %squeeze3A_160, %select_n3A_155 : vector<64x512xi1>, vector<64x512xf32>
    %jit3A_163 = arith.constant 5 : i32
    %broadcast_in_dim3A_164 = vector.broadcast %jit3A_163 : i32 to vector<64x512xi32>
    %select_n3A_165 = arith.select %gt3A_161, %broadcast_in_dim3A_164, %select_n3A_158 : vector<64x512xi1>, vector<64x512xi32>
    %slice3A_166 = vector.extract_strided_slice %get3A_3 {offsets = [1, 6, 0, 0], sizes = [1, 1, 64, 512], strides = [1, 1, 1, 1]} : vector<4x19x64x512xf32> to vector<1x1x64x512xf32>
    %squeeze3A_167 = vector.shape_cast %slice3A_166 : vector<1x1x64x512xf32> to vector<64x512xf32>
    %gt3A_168 = arith.cmpf ogt, %squeeze3A_167, %select_n3A_162 : vector<64x512xf32>
    %select_n3A_169 = arith.select %gt3A_168, %squeeze3A_167, %select_n3A_162 : vector<64x512xi1>, vector<64x512xf32>
    %jit3A_170 = arith.constant 6 : i32
    %broadcast_in_dim3A_171 = vector.broadcast %jit3A_170 : i32 to vector<64x512xi32>
    %select_n3A_172 = arith.select %gt3A_168, %broadcast_in_dim3A_171, %select_n3A_165 : vector<64x512xi1>, vector<64x512xi32>
    %slice3A_173 = vector.extract_strided_slice %get3A_3 {offsets = [1, 7, 0, 0], sizes = [1, 1, 64, 512], strides = [1, 1, 1, 1]} : vector<4x19x64x512xf32> to vector<1x1x64x512xf32>
    %squeeze3A_174 = vector.shape_cast %slice3A_173 : vector<1x1x64x512xf32> to vector<64x512xf32>
    %gt3A_175 = arith.cmpf ogt, %squeeze3A_174, %select_n3A_169 : vector<64x512xf32>
    %select_n3A_176 = arith.select %gt3A_175, %squeeze3A_174, %select_n3A_169 : vector<64x512xi1>, vector<64x512xf32>
    %jit3A_177 = arith.constant 7 : i32
    %broadcast_in_dim3A_178 = vector.broadcast %jit3A_177 : i32 to vector<64x512xi32>
    %select_n3A_179 = arith.select %gt3A_175, %broadcast_in_dim3A_178, %select_n3A_172 : vector<64x512xi1>, vector<64x512xi32>
    %slice3A_180 = vector.extract_strided_slice %get3A_3 {offsets = [1, 8, 0, 0], sizes = [1, 1, 64, 512], strides = [1, 1, 1, 1]} : vector<4x19x64x512xf32> to vector<1x1x64x512xf32>
    %squeeze3A_181 = vector.shape_cast %slice3A_180 : vector<1x1x64x512xf32> to vector<64x512xf32>
    %gt3A_182 = arith.cmpf ogt, %squeeze3A_181, %select_n3A_176 : vector<64x512xf32>
    %select_n3A_183 = arith.select %gt3A_182, %squeeze3A_181, %select_n3A_176 : vector<64x512xi1>, vector<64x512xf32>
    %jit3A_184 = arith.constant 8 : i32
    %broadcast_in_dim3A_185 = vector.broadcast %jit3A_184 : i32 to vector<64x512xi32>
    %select_n3A_186 = arith.select %gt3A_182, %broadcast_in_dim3A_185, %select_n3A_179 : vector<64x512xi1>, vector<64x512xi32>
    %slice3A_187 = vector.extract_strided_slice %get3A_3 {offsets = [1, 9, 0, 0], sizes = [1, 1, 64, 512], strides = [1, 1, 1, 1]} : vector<4x19x64x512xf32> to vector<1x1x64x512xf32>
    %squeeze3A_188 = vector.shape_cast %slice3A_187 : vector<1x1x64x512xf32> to vector<64x512xf32>
    %gt3A_189 = arith.cmpf ogt, %squeeze3A_188, %select_n3A_183 : vector<64x512xf32>
    %select_n3A_190 = arith.select %gt3A_189, %squeeze3A_188, %select_n3A_183 : vector<64x512xi1>, vector<64x512xf32>
    %jit3A_191 = arith.constant 9 : i32
    %broadcast_in_dim3A_192 = vector.broadcast %jit3A_191 : i32 to vector<64x512xi32>
    %select_n3A_193 = arith.select %gt3A_189, %broadcast_in_dim3A_192, %select_n3A_186 : vector<64x512xi1>, vector<64x512xi32>
    %slice3A_194 = vector.extract_strided_slice %get3A_3 {offsets = [1, 10, 0, 0], sizes = [1, 1, 64, 512], strides = [1, 1, 1, 1]} : vector<4x19x64x512xf32> to vector<1x1x64x512xf32>
    %squeeze3A_195 = vector.shape_cast %slice3A_194 : vector<1x1x64x512xf32> to vector<64x512xf32>
    %gt3A_196 = arith.cmpf ogt, %squeeze3A_195, %select_n3A_190 : vector<64x512xf32>
    %select_n3A_197 = arith.select %gt3A_196, %squeeze3A_195, %select_n3A_190 : vector<64x512xi1>, vector<64x512xf32>
    %jit3A_198 = arith.constant 10 : i32
    %broadcast_in_dim3A_199 = vector.broadcast %jit3A_198 : i32 to vector<64x512xi32>
    %select_n3A_200 = arith.select %gt3A_196, %broadcast_in_dim3A_199, %select_n3A_193 : vector<64x512xi1>, vector<64x512xi32>
    %slice3A_201 = vector.extract_strided_slice %get3A_3 {offsets = [1, 11, 0, 0], sizes = [1, 1, 64, 512], strides = [1, 1, 1, 1]} : vector<4x19x64x512xf32> to vector<1x1x64x512xf32>
    %squeeze3A_202 = vector.shape_cast %slice3A_201 : vector<1x1x64x512xf32> to vector<64x512xf32>
    %gt3A_203 = arith.cmpf ogt, %squeeze3A_202, %select_n3A_197 : vector<64x512xf32>
    %select_n3A_204 = arith.select %gt3A_203, %squeeze3A_202, %select_n3A_197 : vector<64x512xi1>, vector<64x512xf32>
    %jit3A_205 = arith.constant 11 : i32
    %broadcast_in_dim3A_206 = vector.broadcast %jit3A_205 : i32 to vector<64x512xi32>
    %select_n3A_207 = arith.select %gt3A_203, %broadcast_in_dim3A_206, %select_n3A_200 : vector<64x512xi1>, vector<64x512xi32>
    %slice3A_208 = vector.extract_strided_slice %get3A_3 {offsets = [1, 12, 0, 0], sizes = [1, 1, 64, 512], strides = [1, 1, 1, 1]} : vector<4x19x64x512xf32> to vector<1x1x64x512xf32>
    %squeeze3A_209 = vector.shape_cast %slice3A_208 : vector<1x1x64x512xf32> to vector<64x512xf32>
    %gt3A_210 = arith.cmpf ogt, %squeeze3A_209, %select_n3A_204 : vector<64x512xf32>
    %select_n3A_211 = arith.select %gt3A_210, %squeeze3A_209, %select_n3A_204 : vector<64x512xi1>, vector<64x512xf32>
    %jit3A_212 = arith.constant 12 : i32
    %broadcast_in_dim3A_213 = vector.broadcast %jit3A_212 : i32 to vector<64x512xi32>
    %select_n3A_214 = arith.select %gt3A_210, %broadcast_in_dim3A_213, %select_n3A_207 : vector<64x512xi1>, vector<64x512xi32>
    %slice3A_215 = vector.extract_strided_slice %get3A_3 {offsets = [1, 13, 0, 0], sizes = [1, 1, 64, 512], strides = [1, 1, 1, 1]} : vector<4x19x64x512xf32> to vector<1x1x64x512xf32>
    %squeeze3A_216 = vector.shape_cast %slice3A_215 : vector<1x1x64x512xf32> to vector<64x512xf32>
    %gt3A_217 = arith.cmpf ogt, %squeeze3A_216, %select_n3A_211 : vector<64x512xf32>
    %select_n3A_218 = arith.select %gt3A_217, %squeeze3A_216, %select_n3A_211 : vector<64x512xi1>, vector<64x512xf32>
    %jit3A_219 = arith.constant 13 : i32
    %broadcast_in_dim3A_220 = vector.broadcast %jit3A_219 : i32 to vector<64x512xi32>
    %select_n3A_221 = arith.select %gt3A_217, %broadcast_in_dim3A_220, %select_n3A_214 : vector<64x512xi1>, vector<64x512xi32>
    %slice3A_222 = vector.extract_strided_slice %get3A_3 {offsets = [1, 14, 0, 0], sizes = [1, 1, 64, 512], strides = [1, 1, 1, 1]} : vector<4x19x64x512xf32> to vector<1x1x64x512xf32>
    %squeeze3A_223 = vector.shape_cast %slice3A_222 : vector<1x1x64x512xf32> to vector<64x512xf32>
    %gt3A_224 = arith.cmpf ogt, %squeeze3A_223, %select_n3A_218 : vector<64x512xf32>
    %select_n3A_225 = arith.select %gt3A_224, %squeeze3A_223, %select_n3A_218 : vector<64x512xi1>, vector<64x512xf32>
    %jit3A_226 = arith.constant 14 : i32
    %broadcast_in_dim3A_227 = vector.broadcast %jit3A_226 : i32 to vector<64x512xi32>
    %select_n3A_228 = arith.select %gt3A_224, %broadcast_in_dim3A_227, %select_n3A_221 : vector<64x512xi1>, vector<64x512xi32>
    %slice3A_229 = vector.extract_strided_slice %get3A_3 {offsets = [1, 15, 0, 0], sizes = [1, 1, 64, 512], strides = [1, 1, 1, 1]} : vector<4x19x64x512xf32> to vector<1x1x64x512xf32>
    %squeeze3A_230 = vector.shape_cast %slice3A_229 : vector<1x1x64x512xf32> to vector<64x512xf32>
    %gt3A_231 = arith.cmpf ogt, %squeeze3A_230, %select_n3A_225 : vector<64x512xf32>
    %select_n3A_232 = arith.select %gt3A_231, %squeeze3A_230, %select_n3A_225 : vector<64x512xi1>, vector<64x512xf32>
    %jit3A_233 = arith.constant 15 : i32
    %broadcast_in_dim3A_234 = vector.broadcast %jit3A_233 : i32 to vector<64x512xi32>
    %select_n3A_235 = arith.select %gt3A_231, %broadcast_in_dim3A_234, %select_n3A_228 : vector<64x512xi1>, vector<64x512xi32>
    %slice3A_236 = vector.extract_strided_slice %get3A_3 {offsets = [1, 16, 0, 0], sizes = [1, 1, 64, 512], strides = [1, 1, 1, 1]} : vector<4x19x64x512xf32> to vector<1x1x64x512xf32>
    %squeeze3A_237 = vector.shape_cast %slice3A_236 : vector<1x1x64x512xf32> to vector<64x512xf32>
    %gt3A_238 = arith.cmpf ogt, %squeeze3A_237, %select_n3A_232 : vector<64x512xf32>
    %select_n3A_239 = arith.select %gt3A_238, %squeeze3A_237, %select_n3A_232 : vector<64x512xi1>, vector<64x512xf32>
    %jit3A_240 = arith.constant 16 : i32
    %broadcast_in_dim3A_241 = vector.broadcast %jit3A_240 : i32 to vector<64x512xi32>
    %select_n3A_242 = arith.select %gt3A_238, %broadcast_in_dim3A_241, %select_n3A_235 : vector<64x512xi1>, vector<64x512xi32>
    %slice3A_243 = vector.extract_strided_slice %get3A_3 {offsets = [1, 17, 0, 0], sizes = [1, 1, 64, 512], strides = [1, 1, 1, 1]} : vector<4x19x64x512xf32> to vector<1x1x64x512xf32>
    %squeeze3A_244 = vector.shape_cast %slice3A_243 : vector<1x1x64x512xf32> to vector<64x512xf32>
    %gt3A_245 = arith.cmpf ogt, %squeeze3A_244, %select_n3A_239 : vector<64x512xf32>
    %select_n3A_246 = arith.select %gt3A_245, %squeeze3A_244, %select_n3A_239 : vector<64x512xi1>, vector<64x512xf32>
    %jit3A_247 = arith.constant 17 : i32
    %broadcast_in_dim3A_248 = vector.broadcast %jit3A_247 : i32 to vector<64x512xi32>
    %select_n3A_249 = arith.select %gt3A_245, %broadcast_in_dim3A_248, %select_n3A_242 : vector<64x512xi1>, vector<64x512xi32>
    %slice3A_250 = vector.extract_strided_slice %get3A_3 {offsets = [1, 18, 0, 0], sizes = [1, 1, 64, 512], strides = [1, 1, 1, 1]} : vector<4x19x64x512xf32> to vector<1x1x64x512xf32>
    %squeeze3A_251 = vector.shape_cast %slice3A_250 : vector<1x1x64x512xf32> to vector<64x512xf32>
    %gt3A_252 = arith.cmpf ogt, %squeeze3A_251, %select_n3A_246 : vector<64x512xf32>
    %jit3A_253 = arith.constant 18 : i32
    %broadcast_in_dim3A_254 = vector.broadcast %jit3A_253 : i32 to vector<64x512xi32>
    %select_n3A_255 = arith.select %gt3A_252, %broadcast_in_dim3A_254, %select_n3A_249 : vector<64x512xi1>, vector<64x512xi32>
    %shift_left3A = arith.constant 8 : i32
    %shift_left3A_256 = vector.broadcast %shift_left3A : i32 to vector<64x512xi32>
    %shift_left3A_257 = arith.shli %select_n3A_255, %shift_left3A_256 : vector<64x512xi32>
    %or3A = arith.ori %select_n3A_126, %shift_left3A_257 : vector<64x512xi32>
    %slice3A_258 = vector.extract_strided_slice %get3A_3 {offsets = [2, 0, 0, 0], sizes = [1, 1, 64, 512], strides = [1, 1, 1, 1]} : vector<4x19x64x512xf32> to vector<1x1x64x512xf32>
    %squeeze3A_259 = vector.shape_cast %slice3A_258 : vector<1x1x64x512xf32> to vector<64x512xf32>
    %broadcast_in_dim3A_260 = arith.constant 0 : i32
    %broadcast_in_dim3A_261 = vector.broadcast %broadcast_in_dim3A_260 : i32 to vector<64x512xi32>
    %slice3A_262 = vector.extract_strided_slice %get3A_3 {offsets = [2, 1, 0, 0], sizes = [1, 1, 64, 512], strides = [1, 1, 1, 1]} : vector<4x19x64x512xf32> to vector<1x1x64x512xf32>
    %squeeze3A_263 = vector.shape_cast %slice3A_262 : vector<1x1x64x512xf32> to vector<64x512xf32>
    %gt3A_264 = arith.cmpf ogt, %squeeze3A_263, %squeeze3A_259 : vector<64x512xf32>
    %select_n3A_265 = arith.select %gt3A_264, %squeeze3A_263, %squeeze3A_259 : vector<64x512xi1>, vector<64x512xf32>
    %jit3A_266 = arith.constant 1 : i32
    %broadcast_in_dim3A_267 = vector.broadcast %jit3A_266 : i32 to vector<64x512xi32>
    %select_n3A_268 = arith.select %gt3A_264, %broadcast_in_dim3A_267, %broadcast_in_dim3A_261 : vector<64x512xi1>, vector<64x512xi32>
    %slice3A_269 = vector.extract_strided_slice %get3A_3 {offsets = [2, 2, 0, 0], sizes = [1, 1, 64, 512], strides = [1, 1, 1, 1]} : vector<4x19x64x512xf32> to vector<1x1x64x512xf32>
    %squeeze3A_270 = vector.shape_cast %slice3A_269 : vector<1x1x64x512xf32> to vector<64x512xf32>
    %gt3A_271 = arith.cmpf ogt, %squeeze3A_270, %select_n3A_265 : vector<64x512xf32>
    %select_n3A_272 = arith.select %gt3A_271, %squeeze3A_270, %select_n3A_265 : vector<64x512xi1>, vector<64x512xf32>
    %jit3A_273 = arith.constant 2 : i32
    %broadcast_in_dim3A_274 = vector.broadcast %jit3A_273 : i32 to vector<64x512xi32>
    %select_n3A_275 = arith.select %gt3A_271, %broadcast_in_dim3A_274, %select_n3A_268 : vector<64x512xi1>, vector<64x512xi32>
    %slice3A_276 = vector.extract_strided_slice %get3A_3 {offsets = [2, 3, 0, 0], sizes = [1, 1, 64, 512], strides = [1, 1, 1, 1]} : vector<4x19x64x512xf32> to vector<1x1x64x512xf32>
    %squeeze3A_277 = vector.shape_cast %slice3A_276 : vector<1x1x64x512xf32> to vector<64x512xf32>
    %gt3A_278 = arith.cmpf ogt, %squeeze3A_277, %select_n3A_272 : vector<64x512xf32>
    %select_n3A_279 = arith.select %gt3A_278, %squeeze3A_277, %select_n3A_272 : vector<64x512xi1>, vector<64x512xf32>
    %jit3A_280 = arith.constant 3 : i32
    %broadcast_in_dim3A_281 = vector.broadcast %jit3A_280 : i32 to vector<64x512xi32>
    %select_n3A_282 = arith.select %gt3A_278, %broadcast_in_dim3A_281, %select_n3A_275 : vector<64x512xi1>, vector<64x512xi32>
    %slice3A_283 = vector.extract_strided_slice %get3A_3 {offsets = [2, 4, 0, 0], sizes = [1, 1, 64, 512], strides = [1, 1, 1, 1]} : vector<4x19x64x512xf32> to vector<1x1x64x512xf32>
    %squeeze3A_284 = vector.shape_cast %slice3A_283 : vector<1x1x64x512xf32> to vector<64x512xf32>
    %gt3A_285 = arith.cmpf ogt, %squeeze3A_284, %select_n3A_279 : vector<64x512xf32>
    %select_n3A_286 = arith.select %gt3A_285, %squeeze3A_284, %select_n3A_279 : vector<64x512xi1>, vector<64x512xf32>
    %jit3A_287 = arith.constant 4 : i32
    %broadcast_in_dim3A_288 = vector.broadcast %jit3A_287 : i32 to vector<64x512xi32>
    %select_n3A_289 = arith.select %gt3A_285, %broadcast_in_dim3A_288, %select_n3A_282 : vector<64x512xi1>, vector<64x512xi32>
    %slice3A_290 = vector.extract_strided_slice %get3A_3 {offsets = [2, 5, 0, 0], sizes = [1, 1, 64, 512], strides = [1, 1, 1, 1]} : vector<4x19x64x512xf32> to vector<1x1x64x512xf32>
    %squeeze3A_291 = vector.shape_cast %slice3A_290 : vector<1x1x64x512xf32> to vector<64x512xf32>
    %gt3A_292 = arith.cmpf ogt, %squeeze3A_291, %select_n3A_286 : vector<64x512xf32>
    %select_n3A_293 = arith.select %gt3A_292, %squeeze3A_291, %select_n3A_286 : vector<64x512xi1>, vector<64x512xf32>
    %jit3A_294 = arith.constant 5 : i32
    %broadcast_in_dim3A_295 = vector.broadcast %jit3A_294 : i32 to vector<64x512xi32>
    %select_n3A_296 = arith.select %gt3A_292, %broadcast_in_dim3A_295, %select_n3A_289 : vector<64x512xi1>, vector<64x512xi32>
    %slice3A_297 = vector.extract_strided_slice %get3A_3 {offsets = [2, 6, 0, 0], sizes = [1, 1, 64, 512], strides = [1, 1, 1, 1]} : vector<4x19x64x512xf32> to vector<1x1x64x512xf32>
    %squeeze3A_298 = vector.shape_cast %slice3A_297 : vector<1x1x64x512xf32> to vector<64x512xf32>
    %gt3A_299 = arith.cmpf ogt, %squeeze3A_298, %select_n3A_293 : vector<64x512xf32>
    %select_n3A_300 = arith.select %gt3A_299, %squeeze3A_298, %select_n3A_293 : vector<64x512xi1>, vector<64x512xf32>
    %jit3A_301 = arith.constant 6 : i32
    %broadcast_in_dim3A_302 = vector.broadcast %jit3A_301 : i32 to vector<64x512xi32>
    %select_n3A_303 = arith.select %gt3A_299, %broadcast_in_dim3A_302, %select_n3A_296 : vector<64x512xi1>, vector<64x512xi32>
    %slice3A_304 = vector.extract_strided_slice %get3A_3 {offsets = [2, 7, 0, 0], sizes = [1, 1, 64, 512], strides = [1, 1, 1, 1]} : vector<4x19x64x512xf32> to vector<1x1x64x512xf32>
    %squeeze3A_305 = vector.shape_cast %slice3A_304 : vector<1x1x64x512xf32> to vector<64x512xf32>
    %gt3A_306 = arith.cmpf ogt, %squeeze3A_305, %select_n3A_300 : vector<64x512xf32>
    %select_n3A_307 = arith.select %gt3A_306, %squeeze3A_305, %select_n3A_300 : vector<64x512xi1>, vector<64x512xf32>
    %jit3A_308 = arith.constant 7 : i32
    %broadcast_in_dim3A_309 = vector.broadcast %jit3A_308 : i32 to vector<64x512xi32>
    %select_n3A_310 = arith.select %gt3A_306, %broadcast_in_dim3A_309, %select_n3A_303 : vector<64x512xi1>, vector<64x512xi32>
    %slice3A_311 = vector.extract_strided_slice %get3A_3 {offsets = [2, 8, 0, 0], sizes = [1, 1, 64, 512], strides = [1, 1, 1, 1]} : vector<4x19x64x512xf32> to vector<1x1x64x512xf32>
    %squeeze3A_312 = vector.shape_cast %slice3A_311 : vector<1x1x64x512xf32> to vector<64x512xf32>
    %gt3A_313 = arith.cmpf ogt, %squeeze3A_312, %select_n3A_307 : vector<64x512xf32>
    %select_n3A_314 = arith.select %gt3A_313, %squeeze3A_312, %select_n3A_307 : vector<64x512xi1>, vector<64x512xf32>
    %jit3A_315 = arith.constant 8 : i32
    %broadcast_in_dim3A_316 = vector.broadcast %jit3A_315 : i32 to vector<64x512xi32>
    %select_n3A_317 = arith.select %gt3A_313, %broadcast_in_dim3A_316, %select_n3A_310 : vector<64x512xi1>, vector<64x512xi32>
    %slice3A_318 = vector.extract_strided_slice %get3A_3 {offsets = [2, 9, 0, 0], sizes = [1, 1, 64, 512], strides = [1, 1, 1, 1]} : vector<4x19x64x512xf32> to vector<1x1x64x512xf32>
    %squeeze3A_319 = vector.shape_cast %slice3A_318 : vector<1x1x64x512xf32> to vector<64x512xf32>
    %gt3A_320 = arith.cmpf ogt, %squeeze3A_319, %select_n3A_314 : vector<64x512xf32>
    %select_n3A_321 = arith.select %gt3A_320, %squeeze3A_319, %select_n3A_314 : vector<64x512xi1>, vector<64x512xf32>
    %jit3A_322 = arith.constant 9 : i32
    %broadcast_in_dim3A_323 = vector.broadcast %jit3A_322 : i32 to vector<64x512xi32>
    %select_n3A_324 = arith.select %gt3A_320, %broadcast_in_dim3A_323, %select_n3A_317 : vector<64x512xi1>, vector<64x512xi32>
    %slice3A_325 = vector.extract_strided_slice %get3A_3 {offsets = [2, 10, 0, 0], sizes = [1, 1, 64, 512], strides = [1, 1, 1, 1]} : vector<4x19x64x512xf32> to vector<1x1x64x512xf32>
    %squeeze3A_326 = vector.shape_cast %slice3A_325 : vector<1x1x64x512xf32> to vector<64x512xf32>
    %gt3A_327 = arith.cmpf ogt, %squeeze3A_326, %select_n3A_321 : vector<64x512xf32>
    %select_n3A_328 = arith.select %gt3A_327, %squeeze3A_326, %select_n3A_321 : vector<64x512xi1>, vector<64x512xf32>
    %jit3A_329 = arith.constant 10 : i32
    %broadcast_in_dim3A_330 = vector.broadcast %jit3A_329 : i32 to vector<64x512xi32>
    %select_n3A_331 = arith.select %gt3A_327, %broadcast_in_dim3A_330, %select_n3A_324 : vector<64x512xi1>, vector<64x512xi32>
    %slice3A_332 = vector.extract_strided_slice %get3A_3 {offsets = [2, 11, 0, 0], sizes = [1, 1, 64, 512], strides = [1, 1, 1, 1]} : vector<4x19x64x512xf32> to vector<1x1x64x512xf32>
    %squeeze3A_333 = vector.shape_cast %slice3A_332 : vector<1x1x64x512xf32> to vector<64x512xf32>
    %gt3A_334 = arith.cmpf ogt, %squeeze3A_333, %select_n3A_328 : vector<64x512xf32>
    %select_n3A_335 = arith.select %gt3A_334, %squeeze3A_333, %select_n3A_328 : vector<64x512xi1>, vector<64x512xf32>
    %jit3A_336 = arith.constant 11 : i32
    %broadcast_in_dim3A_337 = vector.broadcast %jit3A_336 : i32 to vector<64x512xi32>
    %select_n3A_338 = arith.select %gt3A_334, %broadcast_in_dim3A_337, %select_n3A_331 : vector<64x512xi1>, vector<64x512xi32>
    %slice3A_339 = vector.extract_strided_slice %get3A_3 {offsets = [2, 12, 0, 0], sizes = [1, 1, 64, 512], strides = [1, 1, 1, 1]} : vector<4x19x64x512xf32> to vector<1x1x64x512xf32>
    %squeeze3A_340 = vector.shape_cast %slice3A_339 : vector<1x1x64x512xf32> to vector<64x512xf32>
    %gt3A_341 = arith.cmpf ogt, %squeeze3A_340, %select_n3A_335 : vector<64x512xf32>
    %select_n3A_342 = arith.select %gt3A_341, %squeeze3A_340, %select_n3A_335 : vector<64x512xi1>, vector<64x512xf32>
    %jit3A_343 = arith.constant 12 : i32
    %broadcast_in_dim3A_344 = vector.broadcast %jit3A_343 : i32 to vector<64x512xi32>
    %select_n3A_345 = arith.select %gt3A_341, %broadcast_in_dim3A_344, %select_n3A_338 : vector<64x512xi1>, vector<64x512xi32>
    %slice3A_346 = vector.extract_strided_slice %get3A_3 {offsets = [2, 13, 0, 0], sizes = [1, 1, 64, 512], strides = [1, 1, 1, 1]} : vector<4x19x64x512xf32> to vector<1x1x64x512xf32>
    %squeeze3A_347 = vector.shape_cast %slice3A_346 : vector<1x1x64x512xf32> to vector<64x512xf32>
    %gt3A_348 = arith.cmpf ogt, %squeeze3A_347, %select_n3A_342 : vector<64x512xf32>
    %select_n3A_349 = arith.select %gt3A_348, %squeeze3A_347, %select_n3A_342 : vector<64x512xi1>, vector<64x512xf32>
    %jit3A_350 = arith.constant 13 : i32
    %broadcast_in_dim3A_351 = vector.broadcast %jit3A_350 : i32 to vector<64x512xi32>
    %select_n3A_352 = arith.select %gt3A_348, %broadcast_in_dim3A_351, %select_n3A_345 : vector<64x512xi1>, vector<64x512xi32>
    %slice3A_353 = vector.extract_strided_slice %get3A_3 {offsets = [2, 14, 0, 0], sizes = [1, 1, 64, 512], strides = [1, 1, 1, 1]} : vector<4x19x64x512xf32> to vector<1x1x64x512xf32>
    %squeeze3A_354 = vector.shape_cast %slice3A_353 : vector<1x1x64x512xf32> to vector<64x512xf32>
    %gt3A_355 = arith.cmpf ogt, %squeeze3A_354, %select_n3A_349 : vector<64x512xf32>
    %select_n3A_356 = arith.select %gt3A_355, %squeeze3A_354, %select_n3A_349 : vector<64x512xi1>, vector<64x512xf32>
    %jit3A_357 = arith.constant 14 : i32
    %broadcast_in_dim3A_358 = vector.broadcast %jit3A_357 : i32 to vector<64x512xi32>
    %select_n3A_359 = arith.select %gt3A_355, %broadcast_in_dim3A_358, %select_n3A_352 : vector<64x512xi1>, vector<64x512xi32>
    %slice3A_360 = vector.extract_strided_slice %get3A_3 {offsets = [2, 15, 0, 0], sizes = [1, 1, 64, 512], strides = [1, 1, 1, 1]} : vector<4x19x64x512xf32> to vector<1x1x64x512xf32>
    %squeeze3A_361 = vector.shape_cast %slice3A_360 : vector<1x1x64x512xf32> to vector<64x512xf32>
    %gt3A_362 = arith.cmpf ogt, %squeeze3A_361, %select_n3A_356 : vector<64x512xf32>
    %select_n3A_363 = arith.select %gt3A_362, %squeeze3A_361, %select_n3A_356 : vector<64x512xi1>, vector<64x512xf32>
    %jit3A_364 = arith.constant 15 : i32
    %broadcast_in_dim3A_365 = vector.broadcast %jit3A_364 : i32 to vector<64x512xi32>
    %select_n3A_366 = arith.select %gt3A_362, %broadcast_in_dim3A_365, %select_n3A_359 : vector<64x512xi1>, vector<64x512xi32>
    %slice3A_367 = vector.extract_strided_slice %get3A_3 {offsets = [2, 16, 0, 0], sizes = [1, 1, 64, 512], strides = [1, 1, 1, 1]} : vector<4x19x64x512xf32> to vector<1x1x64x512xf32>
    %squeeze3A_368 = vector.shape_cast %slice3A_367 : vector<1x1x64x512xf32> to vector<64x512xf32>
    %gt3A_369 = arith.cmpf ogt, %squeeze3A_368, %select_n3A_363 : vector<64x512xf32>
    %select_n3A_370 = arith.select %gt3A_369, %squeeze3A_368, %select_n3A_363 : vector<64x512xi1>, vector<64x512xf32>
    %jit3A_371 = arith.constant 16 : i32
    %broadcast_in_dim3A_372 = vector.broadcast %jit3A_371 : i32 to vector<64x512xi32>
    %select_n3A_373 = arith.select %gt3A_369, %broadcast_in_dim3A_372, %select_n3A_366 : vector<64x512xi1>, vector<64x512xi32>
    %slice3A_374 = vector.extract_strided_slice %get3A_3 {offsets = [2, 17, 0, 0], sizes = [1, 1, 64, 512], strides = [1, 1, 1, 1]} : vector<4x19x64x512xf32> to vector<1x1x64x512xf32>
    %squeeze3A_375 = vector.shape_cast %slice3A_374 : vector<1x1x64x512xf32> to vector<64x512xf32>
    %gt3A_376 = arith.cmpf ogt, %squeeze3A_375, %select_n3A_370 : vector<64x512xf32>
    %select_n3A_377 = arith.select %gt3A_376, %squeeze3A_375, %select_n3A_370 : vector<64x512xi1>, vector<64x512xf32>
    %jit3A_378 = arith.constant 17 : i32
    %broadcast_in_dim3A_379 = vector.broadcast %jit3A_378 : i32 to vector<64x512xi32>
    %select_n3A_380 = arith.select %gt3A_376, %broadcast_in_dim3A_379, %select_n3A_373 : vector<64x512xi1>, vector<64x512xi32>
    %slice3A_381 = vector.extract_strided_slice %get3A_3 {offsets = [2, 18, 0, 0], sizes = [1, 1, 64, 512], strides = [1, 1, 1, 1]} : vector<4x19x64x512xf32> to vector<1x1x64x512xf32>
    %squeeze3A_382 = vector.shape_cast %slice3A_381 : vector<1x1x64x512xf32> to vector<64x512xf32>
    %gt3A_383 = arith.cmpf ogt, %squeeze3A_382, %select_n3A_377 : vector<64x512xf32>
    %jit3A_384 = arith.constant 18 : i32
    %broadcast_in_dim3A_385 = vector.broadcast %jit3A_384 : i32 to vector<64x512xi32>
    %select_n3A_386 = arith.select %gt3A_383, %broadcast_in_dim3A_385, %select_n3A_380 : vector<64x512xi1>, vector<64x512xi32>
    %shift_left3A_387 = arith.constant 16 : i32
    %shift_left3A_388 = vector.broadcast %shift_left3A_387 : i32 to vector<64x512xi32>
    %shift_left3A_389 = arith.shli %select_n3A_386, %shift_left3A_388 : vector<64x512xi32>
    %or3A_390 = arith.ori %or3A, %shift_left3A_389 : vector<64x512xi32>
    %slice3A_391 = vector.extract_strided_slice %get3A_3 {offsets = [3, 0, 0, 0], sizes = [1, 1, 64, 512], strides = [1, 1, 1, 1]} : vector<4x19x64x512xf32> to vector<1x1x64x512xf32>
    %squeeze3A_392 = vector.shape_cast %slice3A_391 : vector<1x1x64x512xf32> to vector<64x512xf32>
    %broadcast_in_dim3A_393 = arith.constant 0 : i32
    %broadcast_in_dim3A_394 = vector.broadcast %broadcast_in_dim3A_393 : i32 to vector<64x512xi32>
    %slice3A_395 = vector.extract_strided_slice %get3A_3 {offsets = [3, 1, 0, 0], sizes = [1, 1, 64, 512], strides = [1, 1, 1, 1]} : vector<4x19x64x512xf32> to vector<1x1x64x512xf32>
    %squeeze3A_396 = vector.shape_cast %slice3A_395 : vector<1x1x64x512xf32> to vector<64x512xf32>
    %gt3A_397 = arith.cmpf ogt, %squeeze3A_396, %squeeze3A_392 : vector<64x512xf32>
    %select_n3A_398 = arith.select %gt3A_397, %squeeze3A_396, %squeeze3A_392 : vector<64x512xi1>, vector<64x512xf32>
    %jit3A_399 = arith.constant 1 : i32
    %broadcast_in_dim3A_400 = vector.broadcast %jit3A_399 : i32 to vector<64x512xi32>
    %select_n3A_401 = arith.select %gt3A_397, %broadcast_in_dim3A_400, %broadcast_in_dim3A_394 : vector<64x512xi1>, vector<64x512xi32>
    %slice3A_402 = vector.extract_strided_slice %get3A_3 {offsets = [3, 2, 0, 0], sizes = [1, 1, 64, 512], strides = [1, 1, 1, 1]} : vector<4x19x64x512xf32> to vector<1x1x64x512xf32>
    %squeeze3A_403 = vector.shape_cast %slice3A_402 : vector<1x1x64x512xf32> to vector<64x512xf32>
    %gt3A_404 = arith.cmpf ogt, %squeeze3A_403, %select_n3A_398 : vector<64x512xf32>
    %select_n3A_405 = arith.select %gt3A_404, %squeeze3A_403, %select_n3A_398 : vector<64x512xi1>, vector<64x512xf32>
    %jit3A_406 = arith.constant 2 : i32
    %broadcast_in_dim3A_407 = vector.broadcast %jit3A_406 : i32 to vector<64x512xi32>
    %select_n3A_408 = arith.select %gt3A_404, %broadcast_in_dim3A_407, %select_n3A_401 : vector<64x512xi1>, vector<64x512xi32>
    %slice3A_409 = vector.extract_strided_slice %get3A_3 {offsets = [3, 3, 0, 0], sizes = [1, 1, 64, 512], strides = [1, 1, 1, 1]} : vector<4x19x64x512xf32> to vector<1x1x64x512xf32>
    %squeeze3A_410 = vector.shape_cast %slice3A_409 : vector<1x1x64x512xf32> to vector<64x512xf32>
    %gt3A_411 = arith.cmpf ogt, %squeeze3A_410, %select_n3A_405 : vector<64x512xf32>
    %select_n3A_412 = arith.select %gt3A_411, %squeeze3A_410, %select_n3A_405 : vector<64x512xi1>, vector<64x512xf32>
    %jit3A_413 = arith.constant 3 : i32
    %broadcast_in_dim3A_414 = vector.broadcast %jit3A_413 : i32 to vector<64x512xi32>
    %select_n3A_415 = arith.select %gt3A_411, %broadcast_in_dim3A_414, %select_n3A_408 : vector<64x512xi1>, vector<64x512xi32>
    %slice3A_416 = vector.extract_strided_slice %get3A_3 {offsets = [3, 4, 0, 0], sizes = [1, 1, 64, 512], strides = [1, 1, 1, 1]} : vector<4x19x64x512xf32> to vector<1x1x64x512xf32>
    %squeeze3A_417 = vector.shape_cast %slice3A_416 : vector<1x1x64x512xf32> to vector<64x512xf32>
    %gt3A_418 = arith.cmpf ogt, %squeeze3A_417, %select_n3A_412 : vector<64x512xf32>
    %select_n3A_419 = arith.select %gt3A_418, %squeeze3A_417, %select_n3A_412 : vector<64x512xi1>, vector<64x512xf32>
    %jit3A_420 = arith.constant 4 : i32
    %broadcast_in_dim3A_421 = vector.broadcast %jit3A_420 : i32 to vector<64x512xi32>
    %select_n3A_422 = arith.select %gt3A_418, %broadcast_in_dim3A_421, %select_n3A_415 : vector<64x512xi1>, vector<64x512xi32>
    %slice3A_423 = vector.extract_strided_slice %get3A_3 {offsets = [3, 5, 0, 0], sizes = [1, 1, 64, 512], strides = [1, 1, 1, 1]} : vector<4x19x64x512xf32> to vector<1x1x64x512xf32>
    %squeeze3A_424 = vector.shape_cast %slice3A_423 : vector<1x1x64x512xf32> to vector<64x512xf32>
    %gt3A_425 = arith.cmpf ogt, %squeeze3A_424, %select_n3A_419 : vector<64x512xf32>
    %select_n3A_426 = arith.select %gt3A_425, %squeeze3A_424, %select_n3A_419 : vector<64x512xi1>, vector<64x512xf32>
    %jit3A_427 = arith.constant 5 : i32
    %broadcast_in_dim3A_428 = vector.broadcast %jit3A_427 : i32 to vector<64x512xi32>
    %select_n3A_429 = arith.select %gt3A_425, %broadcast_in_dim3A_428, %select_n3A_422 : vector<64x512xi1>, vector<64x512xi32>
    %slice3A_430 = vector.extract_strided_slice %get3A_3 {offsets = [3, 6, 0, 0], sizes = [1, 1, 64, 512], strides = [1, 1, 1, 1]} : vector<4x19x64x512xf32> to vector<1x1x64x512xf32>
    %squeeze3A_431 = vector.shape_cast %slice3A_430 : vector<1x1x64x512xf32> to vector<64x512xf32>
    %gt3A_432 = arith.cmpf ogt, %squeeze3A_431, %select_n3A_426 : vector<64x512xf32>
    %select_n3A_433 = arith.select %gt3A_432, %squeeze3A_431, %select_n3A_426 : vector<64x512xi1>, vector<64x512xf32>
    %jit3A_434 = arith.constant 6 : i32
    %broadcast_in_dim3A_435 = vector.broadcast %jit3A_434 : i32 to vector<64x512xi32>
    %select_n3A_436 = arith.select %gt3A_432, %broadcast_in_dim3A_435, %select_n3A_429 : vector<64x512xi1>, vector<64x512xi32>
    %slice3A_437 = vector.extract_strided_slice %get3A_3 {offsets = [3, 7, 0, 0], sizes = [1, 1, 64, 512], strides = [1, 1, 1, 1]} : vector<4x19x64x512xf32> to vector<1x1x64x512xf32>
    %squeeze3A_438 = vector.shape_cast %slice3A_437 : vector<1x1x64x512xf32> to vector<64x512xf32>
    %gt3A_439 = arith.cmpf ogt, %squeeze3A_438, %select_n3A_433 : vector<64x512xf32>
    %select_n3A_440 = arith.select %gt3A_439, %squeeze3A_438, %select_n3A_433 : vector<64x512xi1>, vector<64x512xf32>
    %jit3A_441 = arith.constant 7 : i32
    %broadcast_in_dim3A_442 = vector.broadcast %jit3A_441 : i32 to vector<64x512xi32>
    %select_n3A_443 = arith.select %gt3A_439, %broadcast_in_dim3A_442, %select_n3A_436 : vector<64x512xi1>, vector<64x512xi32>
    %slice3A_444 = vector.extract_strided_slice %get3A_3 {offsets = [3, 8, 0, 0], sizes = [1, 1, 64, 512], strides = [1, 1, 1, 1]} : vector<4x19x64x512xf32> to vector<1x1x64x512xf32>
    %squeeze3A_445 = vector.shape_cast %slice3A_444 : vector<1x1x64x512xf32> to vector<64x512xf32>
    %gt3A_446 = arith.cmpf ogt, %squeeze3A_445, %select_n3A_440 : vector<64x512xf32>
    %select_n3A_447 = arith.select %gt3A_446, %squeeze3A_445, %select_n3A_440 : vector<64x512xi1>, vector<64x512xf32>
    %jit3A_448 = arith.constant 8 : i32
    %broadcast_in_dim3A_449 = vector.broadcast %jit3A_448 : i32 to vector<64x512xi32>
    %select_n3A_450 = arith.select %gt3A_446, %broadcast_in_dim3A_449, %select_n3A_443 : vector<64x512xi1>, vector<64x512xi32>
    %slice3A_451 = vector.extract_strided_slice %get3A_3 {offsets = [3, 9, 0, 0], sizes = [1, 1, 64, 512], strides = [1, 1, 1, 1]} : vector<4x19x64x512xf32> to vector<1x1x64x512xf32>
    %squeeze3A_452 = vector.shape_cast %slice3A_451 : vector<1x1x64x512xf32> to vector<64x512xf32>
    %gt3A_453 = arith.cmpf ogt, %squeeze3A_452, %select_n3A_447 : vector<64x512xf32>
    %select_n3A_454 = arith.select %gt3A_453, %squeeze3A_452, %select_n3A_447 : vector<64x512xi1>, vector<64x512xf32>
    %jit3A_455 = arith.constant 9 : i32
    %broadcast_in_dim3A_456 = vector.broadcast %jit3A_455 : i32 to vector<64x512xi32>
    %select_n3A_457 = arith.select %gt3A_453, %broadcast_in_dim3A_456, %select_n3A_450 : vector<64x512xi1>, vector<64x512xi32>
    %slice3A_458 = vector.extract_strided_slice %get3A_3 {offsets = [3, 10, 0, 0], sizes = [1, 1, 64, 512], strides = [1, 1, 1, 1]} : vector<4x19x64x512xf32> to vector<1x1x64x512xf32>
    %squeeze3A_459 = vector.shape_cast %slice3A_458 : vector<1x1x64x512xf32> to vector<64x512xf32>
    %gt3A_460 = arith.cmpf ogt, %squeeze3A_459, %select_n3A_454 : vector<64x512xf32>
    %select_n3A_461 = arith.select %gt3A_460, %squeeze3A_459, %select_n3A_454 : vector<64x512xi1>, vector<64x512xf32>
    %jit3A_462 = arith.constant 10 : i32
    %broadcast_in_dim3A_463 = vector.broadcast %jit3A_462 : i32 to vector<64x512xi32>
    %select_n3A_464 = arith.select %gt3A_460, %broadcast_in_dim3A_463, %select_n3A_457 : vector<64x512xi1>, vector<64x512xi32>
    %slice3A_465 = vector.extract_strided_slice %get3A_3 {offsets = [3, 11, 0, 0], sizes = [1, 1, 64, 512], strides = [1, 1, 1, 1]} : vector<4x19x64x512xf32> to vector<1x1x64x512xf32>
    %squeeze3A_466 = vector.shape_cast %slice3A_465 : vector<1x1x64x512xf32> to vector<64x512xf32>
    %gt3A_467 = arith.cmpf ogt, %squeeze3A_466, %select_n3A_461 : vector<64x512xf32>
    %select_n3A_468 = arith.select %gt3A_467, %squeeze3A_466, %select_n3A_461 : vector<64x512xi1>, vector<64x512xf32>
    %jit3A_469 = arith.constant 11 : i32
    %broadcast_in_dim3A_470 = vector.broadcast %jit3A_469 : i32 to vector<64x512xi32>
    %select_n3A_471 = arith.select %gt3A_467, %broadcast_in_dim3A_470, %select_n3A_464 : vector<64x512xi1>, vector<64x512xi32>
    %slice3A_472 = vector.extract_strided_slice %get3A_3 {offsets = [3, 12, 0, 0], sizes = [1, 1, 64, 512], strides = [1, 1, 1, 1]} : vector<4x19x64x512xf32> to vector<1x1x64x512xf32>
    %squeeze3A_473 = vector.shape_cast %slice3A_472 : vector<1x1x64x512xf32> to vector<64x512xf32>
    %gt3A_474 = arith.cmpf ogt, %squeeze3A_473, %select_n3A_468 : vector<64x512xf32>
    %select_n3A_475 = arith.select %gt3A_474, %squeeze3A_473, %select_n3A_468 : vector<64x512xi1>, vector<64x512xf32>
    %jit3A_476 = arith.constant 12 : i32
    %broadcast_in_dim3A_477 = vector.broadcast %jit3A_476 : i32 to vector<64x512xi32>
    %select_n3A_478 = arith.select %gt3A_474, %broadcast_in_dim3A_477, %select_n3A_471 : vector<64x512xi1>, vector<64x512xi32>
    %slice3A_479 = vector.extract_strided_slice %get3A_3 {offsets = [3, 13, 0, 0], sizes = [1, 1, 64, 512], strides = [1, 1, 1, 1]} : vector<4x19x64x512xf32> to vector<1x1x64x512xf32>
    %squeeze3A_480 = vector.shape_cast %slice3A_479 : vector<1x1x64x512xf32> to vector<64x512xf32>
    %gt3A_481 = arith.cmpf ogt, %squeeze3A_480, %select_n3A_475 : vector<64x512xf32>
    %select_n3A_482 = arith.select %gt3A_481, %squeeze3A_480, %select_n3A_475 : vector<64x512xi1>, vector<64x512xf32>
    %jit3A_483 = arith.constant 13 : i32
    %broadcast_in_dim3A_484 = vector.broadcast %jit3A_483 : i32 to vector<64x512xi32>
    %select_n3A_485 = arith.select %gt3A_481, %broadcast_in_dim3A_484, %select_n3A_478 : vector<64x512xi1>, vector<64x512xi32>
    %slice3A_486 = vector.extract_strided_slice %get3A_3 {offsets = [3, 14, 0, 0], sizes = [1, 1, 64, 512], strides = [1, 1, 1, 1]} : vector<4x19x64x512xf32> to vector<1x1x64x512xf32>
    %squeeze3A_487 = vector.shape_cast %slice3A_486 : vector<1x1x64x512xf32> to vector<64x512xf32>
    %gt3A_488 = arith.cmpf ogt, %squeeze3A_487, %select_n3A_482 : vector<64x512xf32>
    %select_n3A_489 = arith.select %gt3A_488, %squeeze3A_487, %select_n3A_482 : vector<64x512xi1>, vector<64x512xf32>
    %jit3A_490 = arith.constant 14 : i32
    %broadcast_in_dim3A_491 = vector.broadcast %jit3A_490 : i32 to vector<64x512xi32>
    %select_n3A_492 = arith.select %gt3A_488, %broadcast_in_dim3A_491, %select_n3A_485 : vector<64x512xi1>, vector<64x512xi32>
    %slice3A_493 = vector.extract_strided_slice %get3A_3 {offsets = [3, 15, 0, 0], sizes = [1, 1, 64, 512], strides = [1, 1, 1, 1]} : vector<4x19x64x512xf32> to vector<1x1x64x512xf32>
    %squeeze3A_494 = vector.shape_cast %slice3A_493 : vector<1x1x64x512xf32> to vector<64x512xf32>
    %gt3A_495 = arith.cmpf ogt, %squeeze3A_494, %select_n3A_489 : vector<64x512xf32>
    %select_n3A_496 = arith.select %gt3A_495, %squeeze3A_494, %select_n3A_489 : vector<64x512xi1>, vector<64x512xf32>
    %jit3A_497 = arith.constant 15 : i32
    %broadcast_in_dim3A_498 = vector.broadcast %jit3A_497 : i32 to vector<64x512xi32>
    %select_n3A_499 = arith.select %gt3A_495, %broadcast_in_dim3A_498, %select_n3A_492 : vector<64x512xi1>, vector<64x512xi32>
    %slice3A_500 = vector.extract_strided_slice %get3A_3 {offsets = [3, 16, 0, 0], sizes = [1, 1, 64, 512], strides = [1, 1, 1, 1]} : vector<4x19x64x512xf32> to vector<1x1x64x512xf32>
    %squeeze3A_501 = vector.shape_cast %slice3A_500 : vector<1x1x64x512xf32> to vector<64x512xf32>
    %gt3A_502 = arith.cmpf ogt, %squeeze3A_501, %select_n3A_496 : vector<64x512xf32>
    %select_n3A_503 = arith.select %gt3A_502, %squeeze3A_501, %select_n3A_496 : vector<64x512xi1>, vector<64x512xf32>
    %jit3A_504 = arith.constant 16 : i32
    %broadcast_in_dim3A_505 = vector.broadcast %jit3A_504 : i32 to vector<64x512xi32>
    %select_n3A_506 = arith.select %gt3A_502, %broadcast_in_dim3A_505, %select_n3A_499 : vector<64x512xi1>, vector<64x512xi32>
    %slice3A_507 = vector.extract_strided_slice %get3A_3 {offsets = [3, 17, 0, 0], sizes = [1, 1, 64, 512], strides = [1, 1, 1, 1]} : vector<4x19x64x512xf32> to vector<1x1x64x512xf32>
    %squeeze3A_508 = vector.shape_cast %slice3A_507 : vector<1x1x64x512xf32> to vector<64x512xf32>
    %gt3A_509 = arith.cmpf ogt, %squeeze3A_508, %select_n3A_503 : vector<64x512xf32>
    %select_n3A_510 = arith.select %gt3A_509, %squeeze3A_508, %select_n3A_503 : vector<64x512xi1>, vector<64x512xf32>
    %jit3A_511 = arith.constant 17 : i32
    %broadcast_in_dim3A_512 = vector.broadcast %jit3A_511 : i32 to vector<64x512xi32>
    %select_n3A_513 = arith.select %gt3A_509, %broadcast_in_dim3A_512, %select_n3A_506 : vector<64x512xi1>, vector<64x512xi32>
    %slice3A_514 = vector.extract_strided_slice %get3A_3 {offsets = [3, 18, 0, 0], sizes = [1, 1, 64, 512], strides = [1, 1, 1, 1]} : vector<4x19x64x512xf32> to vector<1x1x64x512xf32>
    %squeeze3A_515 = vector.shape_cast %slice3A_514 : vector<1x1x64x512xf32> to vector<64x512xf32>
    %gt3A_516 = arith.cmpf ogt, %squeeze3A_515, %select_n3A_510 : vector<64x512xf32>
    %jit3A_517 = arith.constant 18 : i32
    %broadcast_in_dim3A_518 = vector.broadcast %jit3A_517 : i32 to vector<64x512xi32>
    %select_n3A_519 = arith.select %gt3A_516, %broadcast_in_dim3A_518, %select_n3A_513 : vector<64x512xi1>, vector<64x512xi32>
    %shift_left3A_520 = arith.constant 24 : i32
    %shift_left3A_521 = vector.broadcast %shift_left3A_520 : i32 to vector<64x512xi32>
    %shift_left3A_522 = arith.shli %select_n3A_519, %shift_left3A_521 : vector<64x512xi32>
    %or3A_523 = arith.ori %or3A_390, %shift_left3A_522 : vector<64x512xi32>
    %swap3A = arith.constant 0 : index
    %swap3A_524 = arith.constant 0 : index
    %swap3A_525 = arith.constant 0 : index
    %swap3A_526 = vector.load %arg3[%swap3A, %swap3A_524, %swap3A_525] : memref<1x64x512xi32, #tpu.memory_space<vmem>>, vector<1x64x512xi32>
    %swap3A_527 = vector.shape_cast %swap3A_526 : vector<1x64x512xi32> to vector<64x512xi32>
    %swap3A_528 = vector.shape_cast %or3A_523 : vector<64x512xi32> to vector<1x64x512xi32>
    tpu.vector_store %arg3[%swap3A, %swap3A_524, %swap3A_525], %swap3A_528 {strides = array<i32>} : memref<1x64x512xi32, #tpu.memory_space<vmem>>, vector<1x64x512xi32>,
    return
  }
  func.func @transform_0(%arg0: i32, %arg1: i32) -> (i32, i32, i32, i32) {
    %c0_i32 = arith.constant 0 : i32
    %c0_i32_0 = arith.constant 0 : i32
    %c0_i32_1 = arith.constant 0 : i32
    return %arg0, %c0_i32, %arg1, %c0_i32_0 : i32, i32, i32, i32
  }
  func.func @transform_1(%arg0: i32, %arg1: i32) -> (i32, i32, i32) {
    %c0_i32 = arith.constant 0 : i32
    %c0_i32_0 = arith.constant 0 : i32
    return %arg0, %arg1, %c0_i32 : i32, i32, i32
  }
}

</mosaic_0001>

<sc_bundles>
// kernel: kernel.4.cloned.1.call-start
scs
__scs_entry_jumppad:
0x0: {  	(pc) =	sbr.rel $0x88, $3  }
0x1: {  	(tag) =	ssettag $0x0;
	lr =	simm.s32 $0x1  }
0x2: {  	[smem:$0x3F9F] =	sst lr;
	_ =	strace $0xD0000000  }
0x3: {  	_ = 	snop  }
0x4: {  	_ = 	snop  }
0x5: {  	_ = 	snop  }
0x6: {  	_ = 	snop  }
0x7: {  	_ = 	snop  }
__scs_overlays_trampoline_lowered:
0x8: {  	[smem:$0x3FAE] =	sst s0  }
0x9: {  	[smem:$0x3FAF] =	sst s1  }
0xa: {  	[smem:$0x3FB0] =	sst s2  }
0xb: {  	[smem:$0x3FB1] =	sst s3  }
0xc: {  	[smem:$0x3FB2] =	sst s4  }
0xd: {  	[smem:$0x3FB3] =	sst s5  }
0xe: {  	[smem:$0x3FB4] =	sst s6  }
0xf: {  	[smem:$0x3FB5] =	sst s7  }
0x10: {  	[smem:$0x3FB6] =	sst s8  }
0x11: {  	[smem:$0x3FB7] =	sst s9;
	s0 =	simm.s32 @!p0 $0x0  }
0x12: {  	s1 =	sld [smem:$0x3F9D];
	s0 =	simm.s32 @p0 $0x1  }
0x13: {  	[smem:$0x3FB8] =	sst s0;
	s0 =	simm.s32 @!p1 $0x0  }
0x14: {  	s2 =	sld [smem:$0x3F9C];
	s0 =	simm.s32 @p1 $0x1  }
0x15: {  	[smem:$0x3FB9] =	sst s0;
	s0 =	simm.s32 @!p2 $0x0  }
0x16: {  	s3 =	sld [smem:$0x3FDB];
	s0 =	simm.s32 @p2 $0x1  }
0x17: {  	s4 =	simm.s32 $0x1BF5;
	[smem:$0x3FBB] =	sst s0  }
0x18: {  	s0 =	sld [smem:$0x3F9E];
	_ =	swait.ge [sflag:s4], $0x0  }
0x19: {  	s7 =	sld [smem:$0x3F9F]  }
0x1a: {  	s8 =	sadd.s32 $0xFFFFE003, lr  }
0x1b: {  	s9 =	sadd.s32 $0xFFFFFEF7, lr;
	s5 =	simm.s32 $0xFFFFFFFF;
	p2 =	slt.u32 s8, $0xFFFFF086  }
0x1c: {  	p1 =	slt.u32 s9, $0xF7A;
	s5 =	simm.s32 @!p2 $0x0  }
0x1d: {  	s5 =	simm.s32 @p1 $0x1;
	p0 =	seq.s32 s7, s2  }
0x1e: {  	s7 =	smul.u32 @!p0 $0xF7A, s2;
	p2 =	seq.s32 @!p0 s5, $0x0  }
0x1f: {  	s9 =	smul.u32 $0xF7A, s1;
	s8 =	simm.s32 @!p0 $0x1BF5;
	p2 =	por !p2, p0  }
0x20: {  	[sflag:s8] =	ssyncset.s32 @!p0 $0xFFFFF086;
	s6 =	sadd.s32 @!p0 s3, s7;
	s7 =	simm.s32 @!p0 $0x108  }
0x21: {  	s3 =	sadd.s32 s3, s9;
	s6 =	sadd.s32 @!p0 $0x88, s6;
	s7 =	simm.s32 @p2 $0x1082  }
0x22: {  	[simem:s7], [sflag:s8] =	dma.local @!p0 [hbm:s6], $0xF7A  }
0x23: {  	s9 =	sor.u32 $0xD0000000, s2;
	s6 =	simm.s32 $0x108;
	_ =	swait.ge @!p0 [sflag:s8], $0x0  }
0x24: {  	s3 =	sadd.s32 $0x88, s3;
	s6 =	simm.s32 @!p1 $0x1082;
	[sflag:s4] =	ssyncset.s32 $0xFFFFF086  }
0x25: {  	[simem:s6], [sflag:s4] =	dma.local [hbm:s3], $0xF7A  }
0x26: {  	[smem:$0x3F9F] =	sst s1;
	(tag) =	ssettag s2;
	_ =	strace s9  }
0x27: {  	s1 =	sld [smem:$0x3FAF]  }
0x28: {  	s2 =	sld [smem:$0x3FB0]  }
0x29: {  	s4 =	sld [smem:$0x3FB2]  }
0x2a: {  	p0 =	seq.s32 s5, $0x0;
	s5 =	sld [smem:$0x3FB3]  }
0x2b: {  	s6 =	sld [smem:$0x3FB4]  }
0x2c: {  	s7 =	sld [smem:$0x3FB5]  }
0x2d: {  	s3 =	simm.s32 $0x108;
	s8 =	sld [smem:$0x3FB6]  }
0x2e: {  	s3 =	simm.s32 @!p0 $0x1082;
	s9 =	sld [smem:$0x3FB7]  }
0x2f: {  	lr =	sadd.s32 s0, s3;
	s0 =	sld [smem:$0x3FAE]  }
0x30: {  	s3 =	sld [smem:$0x3FB1]  }
0x31: {  	[smem:$0x3FBA] =	sst s10  }
0x32: {  	s10 =	sld [smem:$0x3FB8];
	_ =	sdelay $0x3  }
0x33: {  	p0 =	seq.s32 s10, $0x1;
	s10 =	sld [smem:$0x3FBA];
	_ =	sdelay $0x3  }
0x34: {  	[smem:$0x3FBA] =	sst s10  }
0x35: {  	s10 =	sld [smem:$0x3FB9];
	_ =	sdelay $0x3  }
0x36: {  	p1 =	seq.s32 s10, $0x1;
	s10 =	sld [smem:$0x3FBA];
	_ =	sdelay $0x3  }
0x37: {  	[smem:$0x3FBA] =	sst s10  }
0x38: {  	s10 =	sld [smem:$0x3FBB]  }
0x39: {  	_ = 	snop;
	(pc) =	sbr.ind lr, $3  }
0x3a: {  	_ = 	snop  }
0x3b: {  	_ = 	snop  }
0x3c: {  	p2 =	seq.s32 s10, $0x1;
	s10 =	sld [smem:$0x3FBA]  }
0x3d: {  	_ =	shalt  }
0x3e: {  	_ =	shalt  }
0x3f: {  	_ =	shalt  }
0x40: {  	_ =	shalt  }
0x41: {  	_ =	shalt  }
0x42: {  	_ =	shalt  }
0x43: {  	_ =	shalt  }
0x44: {  	_ =	shalt  }
0x45: {  	_ =	shalt  }
0x46: {  	_ =	shalt  }
0x47: {  	_ =	shalt  }
0x48: {  	_ =	shalt  }
0x49: {  	_ =	shalt  }
0x4a: {  	_ =	shalt  }
0x4b: {  	_ =	shalt  }
0x4c: {  	_ =	shalt  }
0x4d: {  	_ =	shalt  }
0x4e: {  	_ =	shalt  }
0x4f: {  	_ =	shalt  }
0x50: {  	_ =	shalt  }
0x51: {  	_ =	shalt  }
0x52: {  	_ =	shalt  }
0x53: {  	_ =	shalt  }
0x54: {  	_ =	shalt  }
0x55: {  	_ =	shalt  }
0x56: {  	_ =	shalt  }
0x57: {  	_ =	shalt  }
0x58: {  	_ =	shalt  }
0x59: {  	_ =	shalt  }
0x5a: {  	_ =	shalt  }
0x5b: {  	_ =	shalt  }
0x5c: {  	_ =	shalt  }
0x5d: {  	_ =	shalt  }
0x5e: {  	_ =	shalt  }
0x5f: {  	_ =	shalt  }
0x60: {  	_ =	shalt  }
0x61: {  	_ =	shalt  }
0x62: {  	_ =	shalt  }
0x63: {  	_ =	shalt  }
0x64: {  	_ =	shalt  }
0x65: {  	_ =	shalt  }
0x66: {  	_ =	shalt  }
0x67: {  	_ =	shalt  }
0x68: {  	_ =	shalt  }
0x69: {  	_ =	shalt  }
0x6a: {  	_ =	shalt  }
0x6b: {  	_ =	shalt  }
0x6c: {  	_ =	shalt  }
0x6d: {  	_ =	shalt  }
0x6e: {  	_ =	shalt  }
0x6f: {  	_ =	shalt  }
0x70: {  	_ =	shalt  }
0x71: {  	_ =	shalt  }
0x72: {  	_ =	shalt  }
0x73: {  	_ =	shalt  }
0x74: {  	_ =	shalt  }
0x75: {  	_ =	shalt  }
0x76: {  	_ =	shalt  }
0x77: {  	_ =	shalt  }
0x78: {  	_ =	shalt  }
0x79: {  	_ =	shalt  }
0x7a: {  	_ =	shalt  }
0x7b: {  	_ =	shalt  }
0x7c: {  	_ =	shalt  }
0x7d: {  	_ =	shalt  }
0x7e: {  	_ =	shalt  }
0x7f: {  	_ =	shalt  }
0x80: {  	_ =	shalt  }
0x81: {  	_ =	shalt  }
0x82: {  	_ =	shalt  }
0x83: {  	_ =	shalt  }
0x84: {  	_ =	shalt  }
0x85: {  	_ =	shalt  }
0x86: {  	_ =	shalt  }
0x87: {  	_ =	shalt  }
.Lfunc_end0:
.L_simem_size_0:
called_computation_lowered:
.L_overlay_start_0:
0x88: {  	s2 =	sld [smem:$0x3FD9]  }
0x89: {  	s3 =	sld [smem:$0x3FFE];
	_ =	sdelay $0x1  }
0x8a: {  	s1 =	srdreg.scid  }
0x8b: {  	s0 =	sand.u32 $0x1, s1  }
0x8c: {  	s17 =	sshll.u32 s0, $0xA;
	s2 =	sadd.s32 s3, s2  }
0x8d: {  	s2 =	sadd.s32 s2, s17  }
0x8e: {  	[smem:$0x3FC6] =	sst s2  }
0x8f: {  	_ = 	snop  }
0x90: {  	s2 =	sld [smem:$0x3FC8]  }
0x91: {  	s18 =	sld [smem:$0x3FD0];
	(tm) =	ssettm $0x1  }
0x92: {  	s4 =	sld [smem:$0x3FFB];
	_ =	sdelay $0x3  }
0x93: {  	_ =	strace s4  }
0x94: {  	s4 =	sld [smem:$0x3FFC];
	_ =	sdelay $0x3  }
0x95: {  	_ =	strace s4  }
0x96: {  	s4 =	sld [smem:$0x3FFD];
	_ =	sdelay $0x3  }
0x97: {  	_ =	strace s4  }
0x98: {  	_ =	strace $0x8FFFFFFF  }
0x99: {  	s19 =	sld [smem:$0x3FDB];
	_ =	sdelay $0x1  }
0x9a: {  	s5 =	simm.s32 $_scs_section_size  }
0x9b: {  	s6 =	simm.s32 $_size__tile_overlayer_lowered;
	s7 =	simm.s32 $_tile_overlayer_lowered  }
0x9c: {  	s22 =	simm.s32 $0x1BFF;
	s21 =	sshll.u32 s7, $0x1;
	s4 =	sadd.s32 s5, s19  }
0x9d: {  	s8 =	simm.s32 $0x0;
	s20 =	sshll.u32 s6, $0x1;
	s6 =	sadd.s32 s21, s4  }
0x9e: {  	[timem:s8], [sflag:s22] =	dma.local [hbm:s6], s20  }
0x9f: {  	_ =	swait.ge [sflag:s22], s20  }
0xa0: {  	s5 =	ssub.s32 $0x0, s20;
	[sflag:s22] =	ssyncset.done $0x0  }
0xa1: {  	[sflag:s22] =	ssyncadd.s32 s5;
	_ =	sdelay $0x1  }
0xa2: {  	s23 =	simm.s32 $0x1B8B  }
0xa3: {  	_ =	swait.ge [sflag:s23], $0x1  }
0xa4: {  	[sflag:s23] =	ssyncset.done $0x0  }
0xa5: {  	s25 =	simm.s32 $0x1B8E;
	s24 =	sld [smem:$0x3FFE];
	[sflag:s23] =	ssyncadd.s32 $0xFFFFFFFF  }
0xa6: {  	s26 =	simm.s32 $execute0_lowered;
	[smem:$0x3FD2] =	sst s25  }
0xa7: {  	s6 =	sshll.u32 s26, $0x1;
	_ =	strace $0x80000046;
	[dreg:$0x1] =	wrdreg $0xFFFFFFFF  }
0xa8: {  	s28 =	simm.s32 $_size_execute0_lowered;
	s4 =	sadd.s32 s4, s6;
	[dreg:$0x0] =	wrdreg $0x0  }
0xa9: {  	s6 =	sshll.u32 s28, $0x1;
	[dreg:$0x2] =	wrdreg s4  }
0xaa: {  	[dreg:$0x3] =	wrdreg s6  }
0xab: {  	[dreg:$0x4] =	wrdreg $0xC0  }
0xac: {  	_ =	task [dreg:s8], $0x5FFFF  }
0xad: {  	[dreg:$0x1] =	wrdreg $0xFFFFFFFF  }
0xae: {  	[dreg:$0x0] =	wrdreg $0x60  }
0xaf: {  	[dreg:$0x2] =	wrdreg s2  }
0xb0: {  	[dreg:$0x3] =	wrdreg s24  }
0xb1: {  	[dreg:$0x4] =	wrdreg s18  }
0xb2: {  	[dreg:$0x5] =	wrdreg $0x9  }
0xb3: {  	_ =	task.clear_ibuf [dreg:s8], $0x6FFFF;
	_ =	strace $0x90000046  }
0xb4: {  	s29 =	simm.s32 $0x9;
	_ =	strace $0x80000048  }
0xb5: {  	_ =	swait.ge [sflag:s29], $0x1  }
0xb6: {  	[sflag:s29] =	ssyncadd.s32 $0xFFFFFFFF  }
0xb7: {  	_ =	strace $0x90000048  }
0xb8: {  	_ =	sfence  }
0xb9: {  	s30 =	sld [smem:$0x0];
	_ =	sdelay $0x2  }
0xba: {  	s31 =	sshll.u32 s1, $0xD;
	s1 =	sshrl.u32 s1, $0x2  }
0xbb: {  	s3 =	sand.u32 $0x4000, s31;
	s1 =	sadd.s32 s1, s30  }
0xbc: {  	s0 =	sor.u32 s3, s0;
	s1 =	sshll.u32 s1, $0x11  }
0xbd: {  	s0 =	sor.u32 s1, s0  }
0xbe: {  	s0 =	sadd.s32 $0x8F2B, s0  }
0xbf: {  	[sflag:s0] =	ssyncadd.remote.s32 $0x1  }
0xc0: {  	_ =	sfence.sel $0xFFFF  }
0xc1: {  	[dreg:$0x0] =	wrdreg $0xFFFFFFFF;
	(pc) =	sbr.abs _section_cstart, $3  }
0xc2: {  	[dreg:$0x1] =	wrdreg $0xFFFFFFFF  }
0xc3: {  	_ =	task.clear_ibuf [dreg:s8], $0x2FFFF;
	_ =	strace $0x9FFFFFFF  }
0xc4: {  	(tm) =	ssettm $0x7FFFFFFF  }
0xc5: {  	_ =	shalt  }
tec
execute0_lowered:
.L_overlay_start_1:
0x0: {  	(tag) =	ssettag $0x1  }
0x1: {  	s0 =	rddreg [dreg:$0x1]  }
0x2: {  	s1 =	rddreg [dreg:$0x2];
	s3 =	simm.s32 $0x0  }
0x3: {  	s2 =	srdreg.scid;
	s6 =	stileid.u32;
	s15 =	simm.s32 $0x5  }
0x4: {  	s18 =	simm.s32 $0x1;
	s21 =	simm.s32 $0x8080;
	s22 =	simm.s32 $0xA080  }
0x5: {  	s28 =	simm.s32 $0x12080;
	s29 =	simm.s32 $0x3;
	s30 =	simm.s32 $0x4  }
0x6: {  	s31 =	simm.s32 $0x0;
	[smem:$0x7FF] =	sst s3;
	s2 =	sand.u32 $0x1, s2  }
0x7: {  	s5 =	sshll.u32 s6, $0xF;
	s6 =	sshrl.u32 s6, $0x3;
	s0 =	sadd.s32 $0x600, s0  }
0x8: {  	s11 =	sadd.s32 $0x8000, s1;
	s25 =	sadd.s32 $0x10000, s1;
	s13 =	sadd.s32 $0x18000, s1  }
0x9: {  	_ =	strace $0x80000047;
	s4 =	ssub.s32 $0x2, s2;
	s2 =	sshll.u32 s2, $0xE  }
0xa: {  	s5 =	sand.u32 $0x38000, s5;
	s23 =	sshll.u32 s6, $0x12;
	s7 =	sshrl.u32 s4, $0x1  }
0xb: {  	s9 =	sshll.u32 s6, $0x14;
	s2 =	sor.u32 s2, s5;
	s14 =	ssub.s32 s4, s7  }
0xc: {  	s24 =	sor.u32 s23, s2;
	s8 =	sor.u32 $0x2000, s2;
	s2 =	sor.u32 s9, s2  }
0xd: {  	s4 =	sshrl.u32 s24, $0x3;
	s5 =	sor.u32 s23, s8;
	s2 =	sshrl.u32 s2, $0x3  }
0xe: {  	s10 =	sor.u32 s9, s8;
	s14 =	smax.u32 s14, $0x1;
	s23 =	simm.s32 $0x2  }
0xf: {  	s24 =	simm.s32 $0xC080;
	s4 =	sadd.s32 s0, s4;
	s5 =	sshrl.u32 s5, $0x3  }
0x10: {  	s6 =	sadd.s32 s1, s2;
	s7 =	sadd.s32 s2, s11;
	s8 =	sadd.s32 s2, s25  }
0x11: {  	s9 =	sadd.s32 s2, s13;
	s26 =	sshrl.u32 s10, $0x3;
	s5 =	sadd.s32 s0, s5  }
0x12: {  	s10 =	sadd.s32 s1, s26;
	s11 =	sadd.s32 s26, s11;
	s12 =	sadd.s32 s26, s25  }
0x13: {  	s13 =	sadd.s32 s26, s13;
	s25 =	simm.s32 $0xE080;
	s26 =	simm.s32 $0x10080  }
.LBB2_1:
0x14: {  	s0 =	rddreg [dreg:$0x0]  }
0x15: {  	[tilespmem:s3], [sflag:$0x5] =	stream.linear.gather [hbm4b:s0+s3], $0x80, $0x38;
	[tilespmem:$0x14080] =	vst v63  }
0x16: {  	_ =	swait.ge [sflag:s15], $0x80  }
0x17: {  	[sflag:s15] =	ssyncset.done $0x0  }
0x18: {  	s16 =	simm.s32 $0x80;
	[sflag:s15] =	ssyncadd.s32 $0xFFFFFF80  }
0x19: {  	[tilespmem:s16], [sflag:$0x1] =	stream.linear.gather [hbm4b:s4+s3], $0x2000, $0x38;
	[tilespmem:$0x14080] =	vst v63  }
0x1a: {  	s17 =	simm.s32 $0x2080;
	s19 =	simm.s32 $0x0;
	s1 =	sand.u32 $0xC00, s3  }
0x1b: {  	[tilespmem:s17], [sflag:$0x2] =	stream.linear.gather [hbm4b:s5+s3], $0x2000, $0x38;
	[tilespmem:$0x14080] =	vst v63  }
0x1c: {  	s2 =	simm.s32 $0x0;
	s0 =	sand.u32 $0x1000, s19;
	_ =	swait.ge [sflag:s18], $0x2000  }
0x1d: {  	s20 =	sand.u32 $0x380, s2;
	s0 =	sor.u32 s1, s0;
	[sflag:s18] =	ssyncset.done $0x0  }
0x1e: {  	s0 =	sor.u32 s20, s0;
	[sflag:s18] =	ssyncadd.s32 $0xFFFFE000  }
0x1f: {  	v0 =	vld [tilespmem:s0+$0xF0]  }
0x20: {  	v1 =	vld [tilespmem:s0+$0x80]  }
0x21: {  	v2 =	vld [tilespmem:s0+$0x90]  }
0x22: {  	v3 =	vld [tilespmem:s0+$0xA0]  }
0x23: {  	v9 =	vld [tilespmem:s0+$0xB0]  }
0x24: {  	v12 =	vld [tilespmem:s0+$0xC0];
	v4 =	vand.u32 $0xFF, v0  }
0x25: {  	v13 =	vld [tilespmem:s0+$0xD0];
	v5 =	vand.u32 $0xFF, v1  }
0x26: {  	v14 =	vld [tilespmem:s0+$0xE0];
	v6 =	vand.u32 $0xFF, v2  }
0x27: {  	v7 =	vand.u32 $0xFF, v3  }
0x28: {  	v8 =	vand.u32 $0xFF, v9  }
0x29: {  	v10 =	vand.u32 $0xFF, v12;
	v4 =	vld.idx.msk [tilespmem:v4+s3+$0x0], $0xffff  }
0x2a: {  	v11 =	vand.u32 $0xFF, v13;
	v5 =	vld.idx.msk [tilespmem:v5+s3+$0x0], $0xffff  }
0x2b: {  	v15 =	vshrl.u32 v0, $0x8;
	v17 =	vand.u32 $0xFF, v14;
	v6 =	vld.idx.msk [tilespmem:v6+s3+$0x0], $0xffff  }
0x2c: {  	v16 =	vshrl.u32 v1, $0x8;
	v15 =	vand.u32 $0xFF, v15;
	v7 =	vld.idx.msk [tilespmem:v7+s3+$0x0], $0xffff  }
0x2d: {  	v18 =	vshrl.u32 v2, $0x8;
	v16 =	vand.u32 $0xFF, v16;
	v8 =	vld.idx.msk [tilespmem:v8+s3+$0x0], $0xffff  }
0x2e: {  	v19 =	vshrl.u32 v3, $0x8;
	v18 =	vand.u32 $0xFF, v18;
	v10 =	vld.idx.msk [tilespmem:v10+s3+$0x0], $0xffff  }
0x2f: {  	v20 =	vshrl.u32 v9, $0x8;
	v19 =	vand.u32 $0xFF, v19;
	v11 =	vld.idx.msk [tilespmem:v11+s3+$0x0], $0xffff;
	[tilespmem:s0+$0x40F0] =	vst v4  }
0x30: {  	v56 =	vshrl.u32 v12, $0x8;
	v4 =	vand.u32 $0xFF, v20;
	[tilespmem:s0+$0x4090] =	vst v6;
	v6 =	vld.idx.msk [tilespmem:v17+s3+$0x0], $0xffff  }
0x31: {  	v59 =	vshrl.u32 v14, $0x8;
	[tilespmem:s0+$0x4080] =	vst v5;
	v5 =	vld.idx.msk [tilespmem:v15+s3+$0x0], $0xffff;
	v15 =	vand.u32 $0xFF, v56  }
0x32: {  	v57 =	vshrl.u32 v0, $0x10;
	[tilespmem:s0+$0x40A0] =	vst v7;
	v17 =	vand.u32 $0xFF, v59;
	v16 =	vld.idx.msk [tilespmem:v16+s3+$0x0], $0xffff  }
0x33: {  	v58 =	vshrl.u32 v13, $0x8;
	v7 =	vand.u32 $0xFF, v57;
	[tilespmem:s0+$0x40B0] =	vst v8;
	v18 =	vld.idx.msk [tilespmem:v18+s3+$0x0], $0xffff  }
0x34: {  	v20 =	vand.u32 $0xFF, v58;
	v8 =	vshrl.u32 v1, $0x10;
	[tilespmem:s0+$0x40C0] =	vst v10;
	v19 =	vld.idx.msk [tilespmem:v19+s3+$0x0], $0xffff  }
0x35: {  	v10 =	vshrl.u32 v2, $0x10;
	[tilespmem:s0+$0x40D0] =	vst v11;
	v8 =	vand.u32 $0xFF, v8;
	v4 =	vld.idx.msk [tilespmem:v4+s3+$0x0], $0xffff  }
0x36: {  	v11 =	vshrl.u32 v3, $0x10;
	v10 =	vand.u32 $0xFF, v10;
	[tilespmem:s0+$0x40E0] =	vst v6;
	v15 =	vld.idx.msk [tilespmem:v15+s3+$0x0], $0xffff  }
0x37: {  	v11 =	vand.u32 $0xFF, v11;
	[tilespmem:s0+$0x60F0] =	vst v5;
	v5 =	vshrl.u32 v9, $0x10;
	v17 =	vld.idx.msk [tilespmem:v17+s3+$0x0], $0xffff  }
0x38: {  	v60 =	vshrl.u32 v12, $0x10;
	[tilespmem:s0+$0x6080] =	vst v16;
	v6 =	vld.idx.msk [tilespmem:v7+s3+$0x0], $0xffff;
	v5 =	vand.u32 $0xFF, v5  }
0x39: {  	[tilespmem:s0+$0x6090] =	vst v18;
	v16 =	vand.u32 $0xFF, v60;
	v7 =	vld.idx.msk [tilespmem:v20+s3+$0x0], $0xffff  }
0x3a: {  	v0 =	vshrl.u32 v0, $0x18;
	v61 =	vshrl.u32 v13, $0x10;
	[tilespmem:s0+$0x60A0] =	vst v19;
	v62 =	vld.idx.msk [tilespmem:v8+s3+$0x0], $0xffff  }
0x3b: {  	v18 =	vand.u32 $0xFF, v61;
	v8 =	vshrl.u32 v14, $0x10;
	v63 =	vld.idx.msk [tilespmem:v10+s3+$0x0], $0xffff;
	[tilespmem:s0+$0x60B0] =	vst v4  }
0x3c: {  	v11 =	vld.idx.msk [tilespmem:v11+s3+$0x0], $0xffff;
	v21 =	vand.u32 $0xFF, v8;
	[tilespmem:s0+$0x60C0] =	vst v15  }
0x3d: {  	v10 =	vld.idx.msk [tilespmem:v5+s3+$0x0], $0xffff;
	[tilespmem:s0+$0x80F0] =	vst v6;
	v5 =	vshrl.u32 v1, $0x18  }
0x3e: {  	[tilespmem:s0+$0x60D0] =	vst v7;
	v7 =	vld.idx.msk [tilespmem:v16+s3+$0x0], $0xffff;
	v6 =	vshrl.u32 v2, $0x18  }
0x3f: {  	v4 =	vshrl.u32 v3, $0x18;
	[tilespmem:s0+$0x60E0] =	vst v17;
	v8 =	vld.idx.msk [tilespmem:v0+s3+$0x0], $0xffff  }
0x40: {  	v3 =	vshrl.u32 v9, $0x18;
	[tilespmem:s0+$0x8080] =	vst v62;
	v9 =	vld.idx.msk [tilespmem:v18+s3+$0x0], $0xffff  }
0x41: {  	s2 =	simm.s32 $0x0;
	s1 =	simm.s32 $0x0;
	v2 =	vshrl.u32 v12, $0x18;
	v1 =	vshrl.u32 v13, $0x18;
	[tilespmem:s0+$0x8090] =	vst v63;
	v0 =	vshrl.u32 v14, $0x18;
	v12 =	vld.idx.msk [tilespmem:v21+s3+$0x0], $0xffff  }
.LBB2_2:
0x42: {  	s2 =	sadd.s32 $0x8, s2;
	v5 =	vld.idx.msk [tilespmem:v5+s3+$0x0], $0xffff;
	[tilespmem:s0+$0x80A0] =	vst v11  }
0x43: {  	s1 =	sadd.s32 $0x400, s1;
	s16 =	sshll.u32 s2, $0x4;
	p0 =	slt.u32 s2, $0x1F8;
	v6 =	vld.idx.msk [tilespmem:v6+s3+$0x0], $0xffff;
	[tilespmem:s0+$0x80B0] =	vst v10  }
0x44: {  	s17 =	sand.u32 $0xC00, s1;
	s19 =	sshll.u32 s2, $0x2;
	s16 =	sand.u32 $0x1000, s16;
	v4 =	vld.idx.msk [tilespmem:v4+s3+$0x0], $0xffff;
	[tilespmem:s0+$0xA0F0] =	vst v8  }
0x45: {  	s16 =	sor.u32 s17, s16;
	s17 =	sand.u32 $0x380, s19;
	v3 =	vld.idx.msk [tilespmem:v3+s3+$0x0], $0xffff;
	[tilespmem:s0+$0x80C0] =	vst v7  }
0x46: {  	s16 =	sor.u32 s17, s16;
	v2 =	vld.idx.msk [tilespmem:v2+s3+$0x0], $0xffff;
	[tilespmem:s0+$0x80D0] =	vst v9  }
0x47: {  	v7 =	vld [tilespmem:s16+$0xF0];
	[tilespmem:s0+$0x80E0] =	vst v12  }
0x48: {  	v8 =	vld [tilespmem:s16+$0x80];
	[tilespmem:s0+$0xA080] =	vst v5  }
0x49: {  	v9 =	vld [tilespmem:s16+$0x90];
	[tilespmem:s0+$0xA090] =	vst v6  }
0x4a: {  	v10 =	vld [tilespmem:s16+$0xA0];
	[tilespmem:s0+$0xA0A0] =	vst v4  }
0x4b: {  	v11 =	vld [tilespmem:s16+$0xB0];
	[tilespmem:s0+$0xA0B0] =	vst v3  }
0x4c: {  	v12 =	vld [tilespmem:s16+$0xC0];
	v3 =	vand.u32 $0xFF, v7;
	[tilespmem:s0+$0xA0C0] =	vst v2  }
0x4d: {  	v2 =	vand.u32 $0xFF, v8;
	v4 =	vshrl.u32 v8, $0x8;
	v5 =	vshrl.u32 v8, $0x10;
	v13 =	vld [tilespmem:s16+$0xD0]  }
0x4e: {  	v4 =	vand.u32 $0xFF, v4;
	v6 =	vand.u32 $0xFF, v9;
	v14 =	vshrl.u32 v9, $0x8;
	v15 =	vld [tilespmem:s16+$0xE0]  }
0x4f: {  	v14 =	vand.u32 $0xFF, v14;
	v16 =	vand.u32 $0xFF, v10;
	v17 =	vshrl.u32 v10, $0x8;
	v1 =	vld.idx.msk [tilespmem:v1+s3+$0x0], $0xffff  }
0x50: {  	v17 =	vand.u32 $0xFF, v17;
	v18 =	vand.u32 $0xFF, v11;
	v19 =	vshrl.u32 v11, $0x8;
	v0 =	vld.idx.msk [tilespmem:v0+s3+$0x0], $0xffff  }
0x51: {  	v19 =	vand.u32 $0xFF, v19;
	v20 =	vand.u32 $0xFF, v12;
	v21 =	vshrl.u32 v12, $0x8;
	v3 =	vld.idx.msk [tilespmem:v3+s3+$0x0], $0xffff  }
0x52: {  	v24 =	vshrl.u32 v7, $0x8;
	v2 =	vld.idx.msk [tilespmem:v2+s3+$0x0], $0xffff;
	v22 =	vand.u32 $0xFF, v13;
	v23 =	vshrl.u32 v13, $0x8  }
0x53: {  	v24 =	vand.u32 $0xFF, v24;
	v6 =	vld.idx.msk [tilespmem:v6+s3+$0x0], $0xffff;
	v25 =	vand.u32 $0xFF, v15;
	v26 =	vshrl.u32 v15, $0x8  }
0x54: {  	v21 =	vand.u32 $0xFF, v21;
	v23 =	vand.u32 $0xFF, v23;
	v16 =	vld.idx.msk [tilespmem:v16+s3+$0x0], $0xffff;
	v26 =	vand.u32 $0xFF, v26  }
0x55: {  	v27 =	vshrl.u32 v9, $0x10;
	v28 =	vshrl.u32 v10, $0x10;
	v29 =	vshrl.u32 v11, $0x10;
	v18 =	vld.idx.msk [tilespmem:v18+s3+$0x0], $0xffff;
	[tilespmem:s0+$0xA0D0] =	vst v1  }
0x56: {  	v30 =	vshrl.u32 v13, $0x10;
	v31 =	vshrl.u32 v15, $0x10;
	v1 =	vshrl.u32 v12, $0x10;
	v20 =	vld.idx.msk [tilespmem:v20+s3+$0x0], $0xffff;
	[tilespmem:s0+$0xA0E0] =	vst v0;
	s0 =	smov.u32 s16  }
0x57: {  	v32 =	vand.u32 $0xFF, v5;
	v27 =	vand.u32 $0xFF, v27;
	v28 =	vand.u32 $0xFF, v28;
	v22 =	vld.idx.msk [tilespmem:v22+s3+$0x0], $0xffff;
	[tilespmem:s0+$0x40F0] =	vst v3  }
0x58: {  	v29 =	vand.u32 $0xFF, v29;
	v30 =	vand.u32 $0xFF, v30;
	v33 =	vand.u32 $0xFF, v1;
	[tilespmem:s0+$0x4080] =	vst v2;
	v24 =	vld.idx.msk [tilespmem:v24+s3+$0x0], $0xffff  }
0x59: {  	v5 =	vshrl.u32 v8, $0x18;
	v0 =	vshrl.u32 v7, $0x10;
	[tilespmem:s0+$0x4090] =	vst v6;
	v8 =	vld.idx.msk [tilespmem:v25+s3+$0x0], $0xffff;
	v25 =	vand.u32 $0xFF, v31  }
0x5a: {  	v6 =	vshrl.u32 v9, $0x18;
	v9 =	vand.u32 $0xFF, v0;
	v31 =	vld.idx.msk [tilespmem:v4+s3+$0x0], $0xffff;
	[tilespmem:s0+$0x40A0] =	vst v16;
	v4 =	vshrl.u32 v10, $0x18  }
0x5b: {  	v1 =	vshrl.u32 v13, $0x18;
	v3 =	vshrl.u32 v11, $0x18;
	v2 =	vshrl.u32 v12, $0x18;
	v10 =	vld.idx.msk [tilespmem:v14+s3+$0x0], $0xffff;
	[tilespmem:s0+$0x40B0] =	vst v18  }
0x5c: {  	v0 =	vshrl.u32 v15, $0x18;
	v11 =	vld.idx.msk [tilespmem:v17+s3+$0x0], $0xffff;
	[tilespmem:s0+$0x40C0] =	vst v20  }
0x5d: {  	v12 =	vld.idx.msk [tilespmem:v19+s3+$0x0], $0xffff;
	[tilespmem:s0+$0x40D0] =	vst v22  }
0x5e: {  	v13 =	vld.idx.msk [tilespmem:v21+s3+$0x0], $0xffff;
	[tilespmem:s0+$0x60F0] =	vst v24  }
0x5f: {  	[tilespmem:s0+$0x40E0] =	vst v8;
	v8 =	vld.idx.msk [tilespmem:v9+s3+$0x0], $0xffff  }
0x60: {  	[tilespmem:s0+$0x6080] =	vst v31;
	v9 =	vld.idx.msk [tilespmem:v23+s3+$0x0], $0xffff  }
0x61: {  	v7 =	vshrl.u32 v7, $0x18;
	[tilespmem:s0+$0x6090] =	vst v10;
	v14 =	vld.idx.msk [tilespmem:v26+s3+$0x0], $0xffff  }
0x62: {  	v15 =	vld.idx.msk [tilespmem:v32+s3+$0x0], $0xffff;
	[tilespmem:s0+$0x60A0] =	vst v11  }
0x63: {  	v16 =	vld.idx.msk [tilespmem:v27+s3+$0x0], $0xffff;
	[tilespmem:s0+$0x60B0] =	vst v12  }
0x64: {  	v11 =	vld.idx.msk [tilespmem:v28+s3+$0x0], $0xffff;
	[tilespmem:s0+$0x60C0] =	vst v13  }
.Ltmp0:
0x65: {  	v10 =	vld.idx.msk [tilespmem:v29+s3+$0x0], $0xffff;
	[tilespmem:s0+$0x80F0] =	vst v8;
	(pc) =	sbr.rel @p0 .LBB2_2-.Ltmp0, $4  }
0x66: {  	[tilespmem:s0+$0x60D0] =	vst v9;
	v8 =	vld.idx.msk [tilespmem:v7+s3+$0x0], $0xffff  }
0x67: {  	v7 =	vld.idx.msk [tilespmem:v33+s3+$0x0], $0xffff;
	[tilespmem:s0+$0x60E0] =	vst v14  }
0x68: {  	[tilespmem:s0+$0x8080] =	vst v15;
	v9 =	vld.idx.msk [tilespmem:v30+s3+$0x0], $0xffff  }
0x69: {  	[tilespmem:s0+$0x8090] =	vst v16;
	v12 =	vld.idx.msk [tilespmem:v25+s3+$0x0], $0xffff  }
0x6a: {  	_ =	sdelay $0x2  }
0x6b: {  	[tilespmem:s0+$0x80A0] =	vst v11  }
0x6c: {  	v5 =	vld.idx.msk [tilespmem:v5+s3+$0x0], $0xffff;
	[tilespmem:s0+$0x80B0] =	vst v10  }
0x6d: {  	v6 =	vld.idx.msk [tilespmem:v6+s3+$0x0], $0xffff;
	[tilespmem:s0+$0xA0F0] =	vst v8  }
0x6e: {  	v4 =	vld.idx.msk [tilespmem:v4+s3+$0x0], $0xffff;
	[tilespmem:s0+$0x80C0] =	vst v7  }
0x6f: {  	v3 =	vld.idx.msk [tilespmem:v3+s3+$0x0], $0xffff;
	[tilespmem:s0+$0x80D0] =	vst v9  }
0x70: {  	v2 =	vld.idx.msk [tilespmem:v2+s3+$0x0], $0xffff;
	[tilespmem:s0+$0x80E0] =	vst v12  }
0x71: {  	v1 =	vld.idx.msk [tilespmem:v1+s3+$0x0], $0xffff;
	[tilespmem:s0+$0xA080] =	vst v5  }
0x72: {  	[tilespmem:s0+$0xA090] =	vst v6;
	v0 =	vld.idx.msk [tilespmem:v0+s3+$0x0], $0xffff  }
0x73: {  	[tilespmem:s0+$0xA0A0] =	vst v4  }
0x74: {  	[tilespmem:s0+$0xA0B0] =	vst v3  }
0x75: {  	[tilespmem:s0+$0xA0C0] =	vst v2  }
0x76: {  	[tilespmem:s0+$0xA0D0] =	vst v1  }
0x77: {  	s1 =	simm.s32 $0x4080;
	[tilespmem:s0+$0xA0E0] =	vst v0;
	s0 =	simm.s32 $0x0  }
0x78: {  	[hbm4b:s6+s0] =	stream.linear.scatter [tilespmem:s1], [sflag:$0x3], $0x2000, $0x38;
	[tilespmem:$0x14080] =	vst v63  }
0x79: {  	s17 =	simm.s32 $0x6080  }
0x7a: {  	[hbm4b:s7+s0] =	stream.linear.scatter [tilespmem:s17], [sflag:$0x3], $0x2000, $0x38;
	[tilespmem:$0x14080] =	vst v63  }
0x7b: {  	_ = 	snop  }
0x7c: {  	[hbm4b:s8+s0] =	stream.linear.scatter [tilespmem:s21], [sflag:$0x3], $0x2000, $0x38;
	[tilespmem:$0x14080] =	vst v63  }
0x7d: {  	s19 =	simm.s32 $0x0;
	s16 =	simm.s32 $0x0  }
0x7e: {  	[hbm4b:s9+s0] =	stream.linear.scatter [tilespmem:s22], [sflag:$0x3], $0x2000, $0x38;
	[tilespmem:$0x14080] =	vst v63  }
0x7f: {  	s1 =	sand.u32 $0x1000, s19;
	s2 =	sand.u32 $0xC00, s0;
	_ =	swait.ge [sflag:s23], $0x2000  }
0x80: {  	s20 =	sand.u32 $0x380, s16;
	s1 =	sor.u32 s2, s1;
	[sflag:s23] =	ssyncset.done $0x0  }
0x81: {  	s2 =	sor.u32 s20, s1;
	[sflag:s23] =	ssyncadd.s32 $0xFFFFE000  }
0x82: {  	v0 =	vld [tilespmem:s2+$0x20F0]  }
0x83: {  	v1 =	vld [tilespmem:s2+$0x2080]  }
0x84: {  	v2 =	vld [tilespmem:s2+$0x2090]  }
0x85: {  	v3 =	vld [tilespmem:s2+$0x20A0]  }
0x86: {  	v9 =	vld [tilespmem:s2+$0x20B0]  }
0x87: {  	v12 =	vld [tilespmem:s2+$0x20C0];
	v4 =	vand.u32 $0xFF, v0  }
0x88: {  	v13 =	vld [tilespmem:s2+$0x20D0];
	v5 =	vand.u32 $0xFF, v1  }
0x89: {  	v14 =	vld [tilespmem:s2+$0x20E0];
	v6 =	vand.u32 $0xFF, v2  }
0x8a: {  	v7 =	vand.u32 $0xFF, v3  }
0x8b: {  	v8 =	vand.u32 $0xFF, v9  }
0x8c: {  	v10 =	vand.u32 $0xFF, v12;
	v4 =	vld.idx.msk [tilespmem:v4+s3+$0x0], $0xffff  }
0x8d: {  	v11 =	vand.u32 $0xFF, v13;
	v5 =	vld.idx.msk [tilespmem:v5+s3+$0x0], $0xffff  }
0x8e: {  	v15 =	vshrl.u32 v0, $0x8;
	v17 =	vand.u32 $0xFF, v14;
	v6 =	vld.idx.msk [tilespmem:v6+s3+$0x0], $0xffff  }
0x8f: {  	v16 =	vshrl.u32 v1, $0x8;
	v15 =	vand.u32 $0xFF, v15;
	v7 =	vld.idx.msk [tilespmem:v7+s3+$0x0], $0xffff  }
0x90: {  	v18 =	vshrl.u32 v2, $0x8;
	v16 =	vand.u32 $0xFF, v16;
	v8 =	vld.idx.msk [tilespmem:v8+s3+$0x0], $0xffff  }
0x91: {  	v19 =	vshrl.u32 v3, $0x8;
	v18 =	vand.u32 $0xFF, v18;
	v10 =	vld.idx.msk [tilespmem:v10+s3+$0x0], $0xffff  }
0x92: {  	v20 =	vshrl.u32 v9, $0x8;
	v19 =	vand.u32 $0xFF, v19;
	v11 =	vld.idx.msk [tilespmem:v11+s3+$0x0], $0xffff;
	[tilespmem:s2+$0xC0F0] =	vst v4  }
0x93: {  	v56 =	vshrl.u32 v12, $0x8;
	v4 =	vand.u32 $0xFF, v20;
	[tilespmem:s2+$0xC090] =	vst v6;
	v6 =	vld.idx.msk [tilespmem:v17+s3+$0x0], $0xffff  }
0x94: {  	v59 =	vshrl.u32 v14, $0x8;
	[tilespmem:s2+$0xC080] =	vst v5;
	v5 =	vld.idx.msk [tilespmem:v15+s3+$0x0], $0xffff;
	v15 =	vand.u32 $0xFF, v56  }
0x95: {  	v57 =	vshrl.u32 v0, $0x10;
	[tilespmem:s2+$0xC0A0] =	vst v7;
	v17 =	vand.u32 $0xFF, v59;
	v16 =	vld.idx.msk [tilespmem:v16+s3+$0x0], $0xffff  }
0x96: {  	v58 =	vshrl.u32 v13, $0x8;
	v7 =	vand.u32 $0xFF, v57;
	[tilespmem:s2+$0xC0B0] =	vst v8;
	v18 =	vld.idx.msk [tilespmem:v18+s3+$0x0], $0xffff  }
0x97: {  	v20 =	vand.u32 $0xFF, v58;
	v8 =	vshrl.u32 v1, $0x10;
	[tilespmem:s2+$0xC0C0] =	vst v10;
	v19 =	vld.idx.msk [tilespmem:v19+s3+$0x0], $0xffff  }
0x98: {  	v10 =	vshrl.u32 v2, $0x10;
	[tilespmem:s2+$0xC0D0] =	vst v11;
	v8 =	vand.u32 $0xFF, v8;
	v4 =	vld.idx.msk [tilespmem:v4+s3+$0x0], $0xffff  }
0x99: {  	v11 =	vshrl.u32 v3, $0x10;
	v10 =	vand.u32 $0xFF, v10;
	[tilespmem:s2+$0xC0E0] =	vst v6;
	v15 =	vld.idx.msk [tilespmem:v15+s3+$0x0], $0xffff  }
0x9a: {  	v11 =	vand.u32 $0xFF, v11;
	[tilespmem:s2+$0xE0F0] =	vst v5;
	v5 =	vshrl.u32 v9, $0x10;
	v17 =	vld.idx.msk [tilespmem:v17+s3+$0x0], $0xffff  }
0x9b: {  	v60 =	vshrl.u32 v12, $0x10;
	[tilespmem:s2+$0xE080] =	vst v16;
	v6 =	vld.idx.msk [tilespmem:v7+s3+$0x0], $0xffff;
	v5 =	vand.u32 $0xFF, v5  }
0x9c: {  	[tilespmem:s2+$0xE090] =	vst v18;
	v16 =	vand.u32 $0xFF, v60;
	v7 =	vld.idx.msk [tilespmem:v20+s3+$0x0], $0xffff  }
0x9d: {  	v0 =	vshrl.u32 v0, $0x18;
	v61 =	vshrl.u32 v13, $0x10;
	[tilespmem:s2+$0xE0A0] =	vst v19;
	v62 =	vld.idx.msk [tilespmem:v8+s3+$0x0], $0xffff  }
0x9e: {  	v18 =	vand.u32 $0xFF, v61;
	v8 =	vshrl.u32 v14, $0x10;
	v63 =	vld.idx.msk [tilespmem:v10+s3+$0x0], $0xffff;
	[tilespmem:s2+$0xE0B0] =	vst v4  }
0x9f: {  	s16 =	sadd.s32 $0xC080, s2;
	v11 =	vld.idx.msk [tilespmem:v11+s3+$0x0], $0xffff;
	v21 =	vand.u32 $0xFF, v8;
	[tilespmem:s2+$0xE0C0] =	vst v15  }
0xa0: {  	v10 =	vld.idx.msk [tilespmem:v5+s3+$0x0], $0xffff;
	[tilespmem:s16+$0x4070] =	vst v6;
	v5 =	vshrl.u32 v1, $0x18  }
0xa1: {  	[tilespmem:s2+$0xE0D0] =	vst v7;
	v7 =	vld.idx.msk [tilespmem:v16+s3+$0x0], $0xffff;
	v6 =	vshrl.u32 v2, $0x18  }
0xa2: {  	v4 =	vshrl.u32 v3, $0x18;
	[tilespmem:s2+$0xE0E0] =	vst v17;
	v8 =	vld.idx.msk [tilespmem:v0+s3+$0x0], $0xffff  }
0xa3: {  	v3 =	vshrl.u32 v9, $0x18;
	[tilespmem:s2+$0x10080] =	vst v62;
	v9 =	vld.idx.msk [tilespmem:v18+s3+$0x0], $0xffff  }
0xa4: {  	s1 =	simm.s32 $0x0;
	v2 =	vshrl.u32 v12, $0x18;
	v1 =	vshrl.u32 v13, $0x18;
	[tilespmem:s16+$0x4010] =	vst v63;
	v0 =	vshrl.u32 v14, $0x18;
	v12 =	vld.idx.msk [tilespmem:v21+s3+$0x0], $0xffff  }
.LBB2_4:
0xa5: {  	s1 =	sadd.s32 $0x8, s1;
	v5 =	vld.idx.msk [tilespmem:v5+s3+$0x0], $0xffff;
	[tilespmem:s16+$0x4020] =	vst v11  }
0xa6: {  	s0 =	sadd.s32 $0x400, s0;
	s17 =	sshll.u32 s1, $0x4;
	p0 =	slt.u32 s1, $0x1F8;
	v6 =	vld.idx.msk [tilespmem:v6+s3+$0x0], $0xffff;
	[tilespmem:s16+$0x4030] =	vst v10  }
0xa7: {  	s19 =	sand.u32 $0xC00, s0;
	s20 =	sshll.u32 s1, $0x2;
	s17 =	sand.u32 $0x1000, s17;
	v4 =	vld.idx.msk [tilespmem:v4+s3+$0x0], $0xffff;
	[tilespmem:s16+$0x6070] =	vst v8  }
0xa8: {  	s17 =	sor.u32 s19, s17;
	s19 =	sand.u32 $0x380, s20;
	v3 =	vld.idx.msk [tilespmem:v3+s3+$0x0], $0xffff;
	[tilespmem:s16+$0x4040] =	vst v7  }
0xa9: {  	s17 =	sor.u32 s19, s17;
	v2 =	vld.idx.msk [tilespmem:v2+s3+$0x0], $0xffff;
	[tilespmem:s16+$0x4050] =	vst v9  }
0xaa: {  	v7 =	vld [tilespmem:s17+$0x20F0];
	[tilespmem:s16+$0x4060] =	vst v12  }
0xab: {  	v8 =	vld [tilespmem:s17+$0x2080];
	[tilespmem:s2+$0x12080] =	vst v5;
	s2 =	smov.u32 s17  }
0xac: {  	v9 =	vld [tilespmem:s2+$0x2090];
	[tilespmem:s16+$0x6010] =	vst v6  }
0xad: {  	v10 =	vld [tilespmem:s2+$0x20A0];
	[tilespmem:s16+$0x6020] =	vst v4  }
0xae: {  	v11 =	vld [tilespmem:s2+$0x20B0];
	[tilespmem:s16+$0x6030] =	vst v3  }
0xaf: {  	v12 =	vld [tilespmem:s2+$0x20C0];
	v3 =	vand.u32 $0xFF, v7;
	[tilespmem:s16+$0x6040] =	vst v2  }
0xb0: {  	v2 =	vand.u32 $0xFF, v8;
	v4 =	vshrl.u32 v8, $0x8;
	v5 =	vshrl.u32 v8, $0x10;
	v13 =	vld [tilespmem:s2+$0x20D0]  }
0xb1: {  	v4 =	vand.u32 $0xFF, v4;
	v6 =	vand.u32 $0xFF, v9;
	v14 =	vshrl.u32 v9, $0x8;
	v15 =	vld [tilespmem:s2+$0x20E0]  }
0xb2: {  	v14 =	vand.u32 $0xFF, v14;
	v16 =	vand.u32 $0xFF, v10;
	v17 =	vshrl.u32 v10, $0x8;
	v1 =	vld.idx.msk [tilespmem:v1+s3+$0x0], $0xffff  }
0xb3: {  	v17 =	vand.u32 $0xFF, v17;
	v18 =	vand.u32 $0xFF, v11;
	v19 =	vshrl.u32 v11, $0x8;
	v0 =	vld.idx.msk [tilespmem:v0+s3+$0x0], $0xffff  }
0xb4: {  	v19 =	vand.u32 $0xFF, v19;
	v20 =	vand.u32 $0xFF, v12;
	v21 =	vshrl.u32 v12, $0x8;
	v3 =	vld.idx.msk [tilespmem:v3+s3+$0x0], $0xffff  }
0xb5: {  	v24 =	vshrl.u32 v7, $0x8;
	v2 =	vld.idx.msk [tilespmem:v2+s3+$0x0], $0xffff;
	v22 =	vand.u32 $0xFF, v13;
	v23 =	vshrl.u32 v13, $0x8  }
0xb6: {  	v24 =	vand.u32 $0xFF, v24;
	v6 =	vld.idx.msk [tilespmem:v6+s3+$0x0], $0xffff;
	v25 =	vand.u32 $0xFF, v15;
	v26 =	vshrl.u32 v15, $0x8  }
0xb7: {  	v21 =	vand.u32 $0xFF, v21;
	v23 =	vand.u32 $0xFF, v23;
	v16 =	vld.idx.msk [tilespmem:v16+s3+$0x0], $0xffff;
	v26 =	vand.u32 $0xFF, v26  }
0xb8: {  	v27 =	vshrl.u32 v9, $0x10;
	v28 =	vshrl.u32 v10, $0x10;
	v29 =	vshrl.u32 v11, $0x10;
	v18 =	vld.idx.msk [tilespmem:v18+s3+$0x0], $0xffff;
	[tilespmem:s16+$0x6050] =	vst v1  }
0xb9: {  	v30 =	vshrl.u32 v13, $0x10;
	v31 =	vshrl.u32 v15, $0x10;
	v1 =	vshrl.u32 v12, $0x10;
	v20 =	vld.idx.msk [tilespmem:v20+s3+$0x0], $0xffff;
	[tilespmem:s16+$0x6060] =	vst v0  }
0xba: {  	v32 =	vand.u32 $0xFF, v5;
	v27 =	vand.u32 $0xFF, v27;
	v28 =	vand.u32 $0xFF, v28;
	v22 =	vld.idx.msk [tilespmem:v22+s3+$0x0], $0xffff;
	[tilespmem:s2+$0xC0F0] =	vst v3  }
0xbb: {  	v29 =	vand.u32 $0xFF, v29;
	v30 =	vand.u32 $0xFF, v30;
	v33 =	vand.u32 $0xFF, v1;
	[tilespmem:s2+$0xC080] =	vst v2;
	v24 =	vld.idx.msk [tilespmem:v24+s3+$0x0], $0xffff  }
0xbc: {  	v5 =	vshrl.u32 v8, $0x18;
	v0 =	vshrl.u32 v7, $0x10;
	[tilespmem:s2+$0xC090] =	vst v6;
	v8 =	vld.idx.msk [tilespmem:v25+s3+$0x0], $0xffff;
	v25 =	vand.u32 $0xFF, v31  }
0xbd: {  	v6 =	vshrl.u32 v9, $0x18;
	v9 =	vand.u32 $0xFF, v0;
	v31 =	vld.idx.msk [tilespmem:v4+s3+$0x0], $0xffff;
	[tilespmem:s2+$0xC0A0] =	vst v16;
	v4 =	vshrl.u32 v10, $0x18  }
0xbe: {  	v1 =	vshrl.u32 v13, $0x18;
	v3 =	vshrl.u32 v11, $0x18;
	v2 =	vshrl.u32 v12, $0x18;
	v10 =	vld.idx.msk [tilespmem:v14+s3+$0x0], $0xffff;
	[tilespmem:s2+$0xC0B0] =	vst v18  }
0xbf: {  	v0 =	vshrl.u32 v15, $0x18;
	v11 =	vld.idx.msk [tilespmem:v17+s3+$0x0], $0xffff;
	[tilespmem:s2+$0xC0C0] =	vst v20  }
0xc0: {  	v12 =	vld.idx.msk [tilespmem:v19+s3+$0x0], $0xffff;
	[tilespmem:s2+$0xC0D0] =	vst v22  }
0xc1: {  	v13 =	vld.idx.msk [tilespmem:v21+s3+$0x0], $0xffff;
	[tilespmem:s2+$0xE0F0] =	vst v24  }
0xc2: {  	[tilespmem:s2+$0xC0E0] =	vst v8;
	v8 =	vld.idx.msk [tilespmem:v9+s3+$0x0], $0xffff  }
0xc3: {  	[tilespmem:s2+$0xE080] =	vst v31;
	v9 =	vld.idx.msk [tilespmem:v23+s3+$0x0], $0xffff  }
0xc4: {  	v7 =	vshrl.u32 v7, $0x18;
	[tilespmem:s2+$0xE090] =	vst v10;
	v14 =	vld.idx.msk [tilespmem:v26+s3+$0x0], $0xffff  }
0xc5: {  	v15 =	vld.idx.msk [tilespmem:v32+s3+$0x0], $0xffff;
	[tilespmem:s2+$0xE0A0] =	vst v11  }
0xc6: {  	v16 =	vld.idx.msk [tilespmem:v27+s3+$0x0], $0xffff;
	[tilespmem:s2+$0xE0B0] =	vst v12  }
0xc7: {  	s16 =	sadd.s32 $0xC080, s2;
	v11 =	vld.idx.msk [tilespmem:v28+s3+$0x0], $0xffff;
	[tilespmem:s2+$0xE0C0] =	vst v13  }
.Ltmp1:
0xc8: {  	v10 =	vld.idx.msk [tilespmem:v29+s3+$0x0], $0xffff;
	[tilespmem:s16+$0x4070] =	vst v8;
	(pc) =	sbr.rel @p0 .LBB2_4-.Ltmp1, $4  }
0xc9: {  	[tilespmem:s2+$0xE0D0] =	vst v9;
	v8 =	vld.idx.msk [tilespmem:v7+s3+$0x0], $0xffff  }
0xca: {  	v7 =	vld.idx.msk [tilespmem:v33+s3+$0x0], $0xffff;
	[tilespmem:s2+$0xE0E0] =	vst v14  }
0xcb: {  	[tilespmem:s2+$0x10080] =	vst v15;
	v9 =	vld.idx.msk [tilespmem:v30+s3+$0x0], $0xffff  }
0xcc: {  	[tilespmem:s16+$0x4010] =	vst v16;
	v12 =	vld.idx.msk [tilespmem:v25+s3+$0x0], $0xffff  }
0xcd: {  	_ =	sdelay $0x2  }
0xce: {  	[tilespmem:s16+$0x4020] =	vst v11  }
0xcf: {  	v5 =	vld.idx.msk [tilespmem:v5+s3+$0x0], $0xffff;
	[tilespmem:s16+$0x4030] =	vst v10  }
0xd0: {  	v6 =	vld.idx.msk [tilespmem:v6+s3+$0x0], $0xffff;
	[tilespmem:s16+$0x6070] =	vst v8  }
0xd1: {  	v4 =	vld.idx.msk [tilespmem:v4+s3+$0x0], $0xffff;
	[tilespmem:s16+$0x4040] =	vst v7  }
0xd2: {  	v3 =	vld.idx.msk [tilespmem:v3+s3+$0x0], $0xffff;
	[tilespmem:s16+$0x4050] =	vst v9  }
0xd3: {  	v2 =	vld.idx.msk [tilespmem:v2+s3+$0x0], $0xffff;
	[tilespmem:s16+$0x4060] =	vst v12  }
0xd4: {  	v1 =	vld.idx.msk [tilespmem:v1+s3+$0x0], $0xffff;
	[tilespmem:s2+$0x12080] =	vst v5  }
0xd5: {  	[tilespmem:s16+$0x6010] =	vst v6;
	v0 =	vld.idx.msk [tilespmem:v0+s3+$0x0], $0xffff  }
0xd6: {  	[tilespmem:s16+$0x6020] =	vst v4  }
0xd7: {  	[tilespmem:s16+$0x6030] =	vst v3  }
0xd8: {  	[tilespmem:s16+$0x6040] =	vst v2  }
0xd9: {  	[tilespmem:s16+$0x6050] =	vst v1  }
0xda: {  	[tilespmem:s16+$0x6060] =	vst v0  }
0xdb: {  	[hbm4b:s10+s3] =	stream.linear.scatter [tilespmem:s24], [sflag:$0x4], $0x2000, $0x38;
	[tilespmem:$0x14080] =	vst v63  }
0xdc: {  	_ = 	snop  }
0xdd: {  	[hbm4b:s11+s3] =	stream.linear.scatter [tilespmem:s25], [sflag:$0x4], $0x2000, $0x38;
	[tilespmem:$0x14080] =	vst v63  }
0xde: {  	_ = 	snop  }
0xdf: {  	[hbm4b:s12+s3] =	stream.linear.scatter [tilespmem:s26], [sflag:$0x4], $0x2000, $0x38;
	[tilespmem:$0x14080] =	vst v63  }
0xe0: {  	_ = 	snop  }
0xe1: {  	[hbm4b:s13+s3] =	stream.linear.scatter [tilespmem:s28], [sflag:$0x4], $0x2000, $0x38;
	[tilespmem:$0x14080] =	vst v63  }
0xe2: {  	_ =	swait.ge [sflag:s29], $0x2000  }
0xe3: {  	[sflag:s29] =	ssyncset.done $0x0  }
0xe4: {  	[sflag:s29] =	ssyncadd.s32 $0xFFFFE000  }
0xe5: {  	_ =	swait.ge [sflag:s29], $0x2000  }
0xe6: {  	[sflag:s29] =	ssyncset.done $0x0  }
0xe7: {  	[sflag:s29] =	ssyncadd.s32 $0xFFFFE000  }
0xe8: {  	_ =	swait.ge [sflag:s29], $0x2000  }
0xe9: {  	[sflag:s29] =	ssyncset.done $0x0  }
0xea: {  	[sflag:s29] =	ssyncadd.s32 $0xFFFFE000  }
0xeb: {  	_ =	swait.ge [sflag:s29], $0x2000  }
0xec: {  	[sflag:s29] =	ssyncset.done $0x0  }
0xed: {  	[sflag:s29] =	ssyncadd.s32 $0xFFFFE000  }
0xee: {  	_ =	swait.ge [sflag:s30], $0x2000  }
0xef: {  	[sflag:s30] =	ssyncset.done $0x0  }
0xf0: {  	[sflag:s30] =	ssyncadd.s32 $0xFFFFE000  }
0xf1: {  	_ =	swait.ge [sflag:s30], $0x2000  }
0xf2: {  	[sflag:s30] =	ssyncset.done $0x0  }
0xf3: {  	s31 =	sadd.s32 $0x1, s31;
	[sflag:s30] =	ssyncadd.s32 $0xFFFFE000  }
0xf4: {  	p0 =	sne.s32 s31, s14;
	_ =	swait.ge [sflag:s30], $0x2000  }
.Ltmp2:
0xf5: {  	[sflag:s30] =	ssyncset.done $0x0;
	(pc) =	sbr.rel @p0 .LBB2_1-.Ltmp2, $4  }
0xf6: {  	[sflag:s30] =	ssyncadd.s32 $0xFFFFE000  }
0xf7: {  	_ =	swait.ge [sflag:s30], $0x2000  }
0xf8: {  	[sflag:s30] =	ssyncset.done $0x0  }
0xf9: {  	[sflag:s30] =	ssyncadd.s32 $0xFFFFE000  }
0xfa: {  	_ =	sfence.sel $0x180000  }
0xfb: {  	[bflag:$0x0] =	sbarrier.arrive $0xFFFF  }
0xfc: {  	_ =	strace $0x90000047  }
0xfd: {  	s0 =	stileid.u32;
	[bflag:$0x2] =	sbarrier.arrive $0xFFFF  }
0xfe: {  	p0 =	sne.s32 s0, $0x0;
	s0 =	rddreg [dreg:$0x3]  }
0xff: {  	s0 =	sadd.s32 @!p0 $0x100000, s0  }
0x100: {  	[sflag:s0] =	ssyncadd.tile.s32 @!p0 $0x1;
	_ =	shalt  }
.Lfunc_end2:
_tile_overlayer_lowered:
.L_overlay_start_2:
0x101: {  	(tag) =	ssettag $0x2  }
0x102: {  	s0 =	rddreg [dreg:$0x0];
	s2 =	stileid.u32  }
0x103: {  	s1 =	rddreg [dreg:$0x1];
	p0 =	sne.s32 s2, $0x0  }
0x104: {  	s3 =	rddreg [dreg:$0x2];
	[bflag:$0x3] =	sbarrier.arrive $0xFFFF;
	s2 =	simm.s32 @!p0 $0x1C05  }
0x105: {  	[timem:s3], [sflag:s2] =	dma.local @!p0 [hbm:s0], s1  }
0x106: {  	s0 =	simm.s32 @!p0 $0x5  }
0x107: {  	_ =	swait.ge @!p0 [sflag:s0], s1  }
0x108: {  	s1 =	ssub.s32 @!p0 $0x0, s1;
	[sflag:s0] =	ssyncset.done @!p0 $0x0  }
0x109: {  	[sflag:s0] =	ssyncadd.s32 @!p0 s1  }
0x10a: {  	[bflag:$0x3] =	sbarrier.arrive $0xFFFF  }
0x10b: {  	_ =	shalt  }

</sc_bundles>
